<compile_context>
chip_gen: v7x
topology: tpu7x:2x2x1
jax: 0.10.2.dev20260603
libtpu: 0.0.44.dev20260713+nightly
codegen_flags: <defaults>
</compile_context>

<pallas_src>
import jax
import jax.numpy as jnp
from jax import lax
from jax.experimental import pallas as pl
from jax.experimental.pallas import tpu as pltpu
from jax.experimental.pallas import tpu_sc as plsc

_SM = 0.5
_K = 64
_N = 65536
_NC = 2
_NS = 16
_NW = _NC * _NS
_RPW = _N // _NW
_CHUNK = 256
_NCHUNK = _RPW // _CHUNK
_J = _K // 16


def _sc_body(x_hbm, pre_hbm, ls_hbm, mm_hbm, out_hbm, x_v, pre_v, ls_v, mm_v, out_v, sem):
    del sem
    pltpu.sync_copy(pre_hbm, pre_v)
    pltpu.sync_copy(ls_hbm, ls_v)
    pltpu.sync_copy(mm_hbm, mm_v)
    mm = mm_v[...]
    cs, qs, ms = [], [], []
    for j in range(_J):
        pre_j = pre_v[pl.ds(16 * j, 16)]
        ls_j = ls_v[pl.ds(16 * j, 16)]
        kf = lax.iota(jnp.int32, 16).astype(jnp.float32) + jnp.float32(16 * j)
        ms.append(mm * kf)
        cs.append(jnp.float32(_SM) * pre_j - ls_j)
        qs.append(jnp.float32(0.5) * jnp.exp(jnp.float32(-2.0) * ls_j))

    wid = lax.axis_index("s") * _NC + lax.axis_index("c")
    base = wid * _RPW

    def chunk_body(g, carry):
        rb = base + g * _CHUNK
        pltpu.sync_copy(x_hbm.at[pl.ds(rb, _CHUNK)], x_v)

        @plsc.parallel_loop(0, _CHUNK, 1, unroll=8)
        def _samp(i):
            idxv = jnp.full((16,), i, jnp.int32)
            xb = plsc.load_gather(x_v, [idxv])
            lps = []
            for j in range(_J):
                d = xb - ms[j]
                lps.append(cs[j] - d * d * qs[j])
            mx = jnp.max(jnp.maximum(jnp.maximum(lps[0], lps[1]),
                                     jnp.maximum(lps[2], lps[3])))
            es = [jnp.exp(lp - mx) for lp in lps]
            s = jnp.sum((es[0] + es[1]) + (es[2] + es[3]))
            r = jnp.ones((16,), jnp.float32) / lax.broadcast(s, (16,))
            for j in range(_J):
                out_v[i, pl.ds(16 * j, 16)] = es[j] * r

        pltpu.sync_copy(out_v, out_hbm.at[pl.ds(rb, _CHUNK)])
        return carry

    lax.fori_loop(0, _NCHUNK, chunk_body, 0)


def kernel(x, mixture_probs_pre_softmax, log_stds, mean_multiplier):
    mm16 = jnp.broadcast_to(mean_multiplier.astype(jnp.float32), (16,))
    mesh = plsc.VectorSubcoreMesh(
        core_axis_name="c", subcore_axis_name="s",
        num_cores=_NC, num_subcores=_NS)
    out_flat = pl.kernel(
        _sc_body,
        out_type=jax.ShapeDtypeStruct((_N, _K), jnp.float32),
        mesh=mesh,
        compiler_params=pltpu.CompilerParams(
            needs_layout_passes=False, use_tc_tiling_on_sc=True),
        scratch_types=[
            pltpu.VMEM((_CHUNK,), jnp.float32),
            pltpu.VMEM((_K,), jnp.float32),
            pltpu.VMEM((_K,), jnp.float32),
            pltpu.VMEM((16,), jnp.float32),
            pltpu.VMEM((_CHUNK, _K), jnp.float32),
            pltpu.SemaphoreType.DMA,
        ],
    )(x, mixture_probs_pre_softmax, log_stds, mm16)
    return out_flat

# --- scband reference (transcript-rebuilt; emitter-appended) ---
"""Pipeline reference for scband-generative-network-31533649887735 (READ-ONLY COPY).

The authoritative reference and input builder live on the scoring server;
editing this copy changes nothing except your own understanding.
"""

import jax, jax.numpy as jnp
import numpy as np

softmax_multiplier = 0.5
NUM_MIXTURES = 64
NUM_SAMPLES = 65536


def normal_log_prob(x, loc, scale):
    return -((x - loc) ** 2) / (2.0 * scale ** 2) - jnp.log(scale) - 0.5 * jnp.log(2.0 * jnp.pi)


def setup_inputs(seed: int = 0):
    key = jax.random.key(seed)
    x = jax.random.normal(key, (NUM_SAMPLES,), dtype=jnp.float32)
    mixture_probs_pre_softmax = jnp.zeros((NUM_MIXTURES,), dtype=jnp.float32)
    log_stds = jnp.zeros((NUM_MIXTURES,), dtype=jnp.float32)
    mean_multiplier = jnp.array([10.0], dtype=jnp.float32)
    return {
        "x": x,
        "mixture_probs_pre_softmax": mixture_probs_pre_softmax,
        "log_stds": log_stds,
        "mean_multiplier": mean_multiplier,
    }


def reference(x, mixture_probs_pre_softmax, log_stds, mean_multiplier):
    num_samples = x.shape[0]
    K = mixture_probs_pre_softmax.shape[0]
    # get_z_params
    z_params = jax.nn.softmax(mixture_probs_pre_softmax * softmax_multiplier, axis=0)
    # get_x_params
    means = mean_multiplier * jnp.arange(K, dtype=x.dtype)
    stds = jnp.exp(log_stds)
    # log_evidence(x)
    log_mix = jnp.log(z_params)
    lp = log_mix[None, :] + normal_log_prob(x[:, None], means[None, :], stds[None, :])
    log_evidence = jax.scipy.special.logsumexp(lp, axis=1)
    # posterior(x): logpdf over expanded (z, x) grid
    z = jnp.arange(K, dtype=jnp.int32)
    z_expanded = jnp.broadcast_to(z[None, :], (num_samples, K)).reshape(-1)
    x_expanded = jnp.broadcast_to(x[:, None], (num_samples, K)).reshape(-1)
    z_logpdf = jnp.take(log_mix, z_expanded, axis=0)
    x_logpdf = normal_log_prob(x_expanded, jnp.take(means, z_expanded, axis=0), jnp.take(stds, z_expanded, axis=0))
    log_joint_expanded = (z_logpdf + x_logpdf).reshape(num_samples, K)
    return jnp.exp(log_joint_expanded - log_evidence[:, None])

if __name__ == "__main__":
    import jax
    _d = setup_inputs()
    print(jax.jit(kernel)(*tuple(_d.values())))

</pallas_src>

<mosaic_0001>
#map = affine_map<(d0, d1) -> (0)>
#map1 = affine_map<(d0, d1) -> (0, 0)>
module attributes {stable_mosaic.version = 14 : i64} {
  func.func @_sc_body(%arg0: i32, %arg1: i32, %arg2: memref<65536xf32, #tpu.memory_space<hbm>>, %arg3: memref<64xf32, #tpu.memory_space<hbm>>, %arg4: memref<64xf32, #tpu.memory_space<hbm>>, %arg5: memref<16xf32, #tpu.memory_space<hbm>>, %arg6: memref<65536x64xf32, #tpu.memory_space<hbm>>, %arg7: memref<256xf32, #tpu.memory_space<vmem>>, %arg8: memref<64xf32, #tpu.memory_space<vmem>>, %arg9: memref<64xf32, #tpu.memory_space<vmem>>, %arg10: memref<16xf32, #tpu.memory_space<vmem>>, %arg11: memref<256x64xf32, #tpu.memory_space<vmem>>, %arg12: memref<!tpu.dma_semaphore, #tpu.memory_space<semaphore_mem>>) attributes {dimension_semantics = [#tpu.dimension_semantics<core_parallel>, #tpu.dimension_semantics<subcore_parallel>], iteration_bounds = array<i64: 2, 16>, scalar_prefetch = 0 : i64, scratch_operands = 6 : i64, tpu.core_type = #tpu.core_type<sc_vector_subcore>, window_params = [{transform_indices = #map}, {transform_indices = #map}, {transform_indices = #map}, {transform_indices = #map}, {transform_indices = #map1}]} {
    "tpu.region"() ({
      %run_scoped3A = tpu.sem_alloc : memref<!tpu.dma_semaphore, #tpu.memory_space<semaphore_mem>>
      tpu.enqueue_dma source(%arg3 : memref<64xf32, #tpu.memory_space<hbm>>) target(%arg8 : memref<64xf32, #tpu.memory_space<vmem>>) target_semaphore(%run_scoped3A : memref<!tpu.dma_semaphore, #tpu.memory_space<semaphore_mem>>)
      tpu.wait_dma2 semaphore(%run_scoped3A : memref<!tpu.dma_semaphore, #tpu.memory_space<semaphore_mem>>) src(%arg3 : memref<64xf32, #tpu.memory_space<hbm>>) dst(%arg8 : memref<64xf32, #tpu.memory_space<vmem>>)
      tpu.yield
    }) : () -> ()
    "tpu.region"() ({
      %run_scoped3A = tpu.sem_alloc : memref<!tpu.dma_semaphore, #tpu.memory_space<semaphore_mem>>
      tpu.enqueue_dma source(%arg4 : memref<64xf32, #tpu.memory_space<hbm>>) target(%arg9 : memref<64xf32, #tpu.memory_space<vmem>>) target_semaphore(%run_scoped3A : memref<!tpu.dma_semaphore, #tpu.memory_space<semaphore_mem>>)
      tpu.wait_dma2 semaphore(%run_scoped3A : memref<!tpu.dma_semaphore, #tpu.memory_space<semaphore_mem>>) src(%arg4 : memref<64xf32, #tpu.memory_space<hbm>>) dst(%arg9 : memref<64xf32, #tpu.memory_space<vmem>>)
      tpu.yield
    }) : () -> ()
    "tpu.region"() ({
      %run_scoped3A = tpu.sem_alloc : memref<!tpu.dma_semaphore, #tpu.memory_space<semaphore_mem>>
      tpu.enqueue_dma source(%arg5 : memref<16xf32, #tpu.memory_space<hbm>>) target(%arg10 : memref<16xf32, #tpu.memory_space<vmem>>) target_semaphore(%run_scoped3A : memref<!tpu.dma_semaphore, #tpu.memory_space<semaphore_mem>>)
      tpu.wait_dma2 semaphore(%run_scoped3A : memref<!tpu.dma_semaphore, #tpu.memory_space<semaphore_mem>>) src(%arg5 : memref<16xf32, #tpu.memory_space<hbm>>) dst(%arg10 : memref<16xf32, #tpu.memory_space<vmem>>)
      tpu.yield
    }) : () -> ()
    %get3A = arith.constant 0 : index
    %get3A_0 = tpu.vector_load %arg10[%get3A] {strides = array<i32>} : memref<16xf32, #tpu.memory_space<vmem>>, vector<16xf32>,
    %get3A_1 = arith.constant 0 : index
    %get3A_2 = tpu.vector_load %arg8[%get3A_1] {strides = array<i32>} : memref<64xf32, #tpu.memory_space<vmem>>, vector<16xf32>,
    %get3A_3 = arith.constant 0 : index
    %get3A_4 = tpu.vector_load %arg9[%get3A_3] {strides = array<i32>} : memref<64xf32, #tpu.memory_space<vmem>>, vector<16xf32>,
    %iota3A = tpu.iota {dimensions = array<i32: 0>} : vector<16xi32>
    %convert_element_type3A = arith.sitofp %iota3A : vector<16xi32> to vector<16xf32>
    %add3A = arith.constant 0.000000e+00 : f32
    %add3A_5 = vector.broadcast %add3A : f32 to vector<16xf32>
    %add3A_6 = arith.addf %convert_element_type3A, %add3A_5 : vector<16xf32>
    %mul3A = arith.mulf %get3A_0, %add3A_6 : vector<16xf32>
    %mul3A_7 = arith.constant 5.000000e-01 : f32
    %mul3A_8 = vector.broadcast %mul3A_7 : f32 to vector<16xf32>
    %mul3A_9 = arith.mulf %mul3A_8, %get3A_2 : vector<16xf32>
    %sub3A = arith.subf %mul3A_9, %get3A_4 : vector<16xf32>
    %mul3A_10 = arith.constant -2.000000e+00 : f32
    %mul3A_11 = vector.broadcast %mul3A_10 : f32 to vector<16xf32>
    %mul3A_12 = arith.mulf %mul3A_11, %get3A_4 : vector<16xf32>
    %exp3A = math.exp %mul3A_12 : vector<16xf32>
    %mul3A_13 = arith.constant 5.000000e-01 : f32
    %mul3A_14 = vector.broadcast %mul3A_13 : f32 to vector<16xf32>
    %mul3A_15 = arith.mulf %mul3A_14, %exp3A : vector<16xf32>
    %get3A_16 = arith.constant 16 : index
    %get3A_17 = tpu.vector_load %arg8[%get3A_16] {strides = array<i32>} : memref<64xf32, #tpu.memory_space<vmem>>, vector<16xf32>,
    %get3A_18 = arith.constant 16 : index
    %get3A_19 = tpu.vector_load %arg9[%get3A_18] {strides = array<i32>} : memref<64xf32, #tpu.memory_space<vmem>>, vector<16xf32>,
    %iota3A_20 = tpu.iota {dimensions = array<i32: 0>} : vector<16xi32>
    %convert_element_type3A_21 = arith.sitofp %iota3A_20 : vector<16xi32> to vector<16xf32>
    %add3A_22 = arith.constant 1.600000e+01 : f32
    %add3A_23 = vector.broadcast %add3A_22 : f32 to vector<16xf32>
    %add3A_24 = arith.addf %convert_element_type3A_21, %add3A_23 : vector<16xf32>
    %mul3A_25 = arith.mulf %get3A_0, %add3A_24 : vector<16xf32>
    %mul3A_26 = arith.constant 5.000000e-01 : f32
    %mul3A_27 = vector.broadcast %mul3A_26 : f32 to vector<16xf32>
    %mul3A_28 = arith.mulf %mul3A_27, %get3A_17 : vector<16xf32>
    %sub3A_29 = arith.subf %mul3A_28, %get3A_19 : vector<16xf32>
    %mul3A_30 = arith.constant -2.000000e+00 : f32
    %mul3A_31 = vector.broadcast %mul3A_30 : f32 to vector<16xf32>
    %mul3A_32 = arith.mulf %mul3A_31, %get3A_19 : vector<16xf32>
    %exp3A_33 = math.exp %mul3A_32 : vector<16xf32>
    %mul3A_34 = arith.constant 5.000000e-01 : f32
    %mul3A_35 = vector.broadcast %mul3A_34 : f32 to vector<16xf32>
    %mul3A_36 = arith.mulf %mul3A_35, %exp3A_33 : vector<16xf32>
    %get3A_37 = arith.constant 32 : index
    %get3A_38 = tpu.vector_load %arg8[%get3A_37] {strides = array<i32>} : memref<64xf32, #tpu.memory_space<vmem>>, vector<16xf32>,
    %get3A_39 = arith.constant 32 : index
    %get3A_40 = tpu.vector_load %arg9[%get3A_39] {strides = array<i32>} : memref<64xf32, #tpu.memory_space<vmem>>, vector<16xf32>,
    %iota3A_41 = tpu.iota {dimensions = array<i32: 0>} : vector<16xi32>
    %convert_element_type3A_42 = arith.sitofp %iota3A_41 : vector<16xi32> to vector<16xf32>
    %add3A_43 = arith.constant 3.200000e+01 : f32
    %add3A_44 = vector.broadcast %add3A_43 : f32 to vector<16xf32>
    %add3A_45 = arith.addf %convert_element_type3A_42, %add3A_44 : vector<16xf32>
    %mul3A_46 = arith.mulf %get3A_0, %add3A_45 : vector<16xf32>
    %mul3A_47 = arith.constant 5.000000e-01 : f32
    %mul3A_48 = vector.broadcast %mul3A_47 : f32 to vector<16xf32>
    %mul3A_49 = arith.mulf %mul3A_48, %get3A_38 : vector<16xf32>
    %sub3A_50 = arith.subf %mul3A_49, %get3A_40 : vector<16xf32>
    %mul3A_51 = arith.constant -2.000000e+00 : f32
    %mul3A_52 = vector.broadcast %mul3A_51 : f32 to vector<16xf32>
    %mul3A_53 = arith.mulf %mul3A_52, %get3A_40 : vector<16xf32>
    %exp3A_54 = math.exp %mul3A_53 : vector<16xf32>
    %mul3A_55 = arith.constant 5.000000e-01 : f32
    %mul3A_56 = vector.broadcast %mul3A_55 : f32 to vector<16xf32>
    %mul3A_57 = arith.mulf %mul3A_56, %exp3A_54 : vector<16xf32>
    %get3A_58 = arith.constant 48 : index
    %get3A_59 = tpu.vector_load %arg8[%get3A_58] {strides = array<i32>} : memref<64xf32, #tpu.memory_space<vmem>>, vector<16xf32>,
    %get3A_60 = arith.constant 48 : index
    %get3A_61 = tpu.vector_load %arg9[%get3A_60] {strides = array<i32>} : memref<64xf32, #tpu.memory_space<vmem>>, vector<16xf32>,
    %iota3A_62 = tpu.iota {dimensions = array<i32: 0>} : vector<16xi32>
    %convert_element_type3A_63 = arith.sitofp %iota3A_62 : vector<16xi32> to vector<16xf32>
    %add3A_64 = arith.constant 4.800000e+01 : f32
    %add3A_65 = vector.broadcast %add3A_64 : f32 to vector<16xf32>
    %add3A_66 = arith.addf %convert_element_type3A_63, %add3A_65 : vector<16xf32>
    %mul3A_67 = arith.mulf %get3A_0, %add3A_66 : vector<16xf32>
    %mul3A_68 = arith.constant 5.000000e-01 : f32
    %mul3A_69 = vector.broadcast %mul3A_68 : f32 to vector<16xf32>
    %mul3A_70 = arith.mulf %mul3A_69, %get3A_59 : vector<16xf32>
    %sub3A_71 = arith.subf %mul3A_70, %get3A_61 : vector<16xf32>
    %mul3A_72 = arith.constant -2.000000e+00 : f32
    %mul3A_73 = vector.broadcast %mul3A_72 : f32 to vector<16xf32>
    %mul3A_74 = arith.mulf %mul3A_73, %get3A_61 : vector<16xf32>
    %exp3A_75 = math.exp %mul3A_74 : vector<16xf32>
    %mul3A_76 = arith.constant 5.000000e-01 : f32
    %mul3A_77 = vector.broadcast %mul3A_76 : f32 to vector<16xf32>
    %mul3A_78 = arith.mulf %mul3A_77, %exp3A_75 : vector<16xf32>
    %mul3A_79 = arith.constant 2 : i32
    %mul3A_80 = arith.muli %arg1, %mul3A_79 : i32
    %add3A_81 = arith.addi %mul3A_80, %arg0 : i32
    %mul3A_82 = arith.constant 2048 : i32
    %mul3A_83 = arith.muli %add3A_81, %mul3A_82 : i32
    %scan3A = arith.constant 0 : i32
    %scan3A_84 = arith.constant 0 : i32
    %scan3A_85 = arith.constant 8 : i32
    %scan3A_86 = arith.addi %scan3A_84, %scan3A_85 : i32
    %scan3A_87 = arith.constant 1 : i32
    scf.for %scan3A_89 = %scan3A_84 to %scan3A_86 step %scan3A_87  : i32 {
      %mul3A_90 = arith.constant 256 : i32
      %mul3A_91 = arith.muli %scan3A_89, %mul3A_90 : i32
      %add3A_92 = arith.addi %mul3A_83, %mul3A_91 : i32
      "tpu.region"() ({
        %run_scoped3A = tpu.sem_alloc : memref<!tpu.dma_semaphore, #tpu.memory_space<semaphore_mem>>
        %dma_start3A = tpu.memref_slice %arg2[%add3A_92] : memref<65536xf32, #tpu.memory_space<hbm>> -> memref<256xf32, #tpu.memory_space<hbm>>
        %dma_start3A_95 = tpu.memref_slice %arg2[%add3A_92] : memref<65536xf32, #tpu.memory_space<hbm>> -> memref<256xf32, #tpu.memory_space<hbm>>
        tpu.enqueue_dma source(%dma_start3A_95 : memref<256xf32, #tpu.memory_space<hbm>>) target(%arg7 : memref<256xf32, #tpu.memory_space<vmem>>) target_semaphore(%run_scoped3A : memref<!tpu.dma_semaphore, #tpu.memory_space<semaphore_mem>>)
        %dma_wait3A = tpu.memref_slice %arg2[%add3A_92] : memref<65536xf32, #tpu.memory_space<hbm>> -> memref<256xf32, #tpu.memory_space<hbm>>
        %dma_wait3A_96 = tpu.memref_slice %arg2[%add3A_92] : memref<65536xf32, #tpu.memory_space<hbm>> -> memref<256xf32, #tpu.memory_space<hbm>>
        tpu.wait_dma2 semaphore(%run_scoped3A : memref<!tpu.dma_semaphore, #tpu.memory_space<semaphore_mem>>) src(%dma_wait3A_96 : memref<256xf32, #tpu.memory_space<hbm>>) dst(%arg7 : memref<256xf32, #tpu.memory_space<vmem>>)
        tpu.yield
      }) : () -> ()
      %parallel_loop3A = arith.constant 0 : i32
      %parallel_loop3A_93 = arith.constant 256 : i32
      %parallel_loop3A_94 = arith.constant 1 : i32
      scf.for %parallel_loop3A_95 = %parallel_loop3A to %parallel_loop3A_93 step %parallel_loop3A_94  : i32 {
        %parallel_loop3A_96 = vector.broadcast %parallel_loop3A_95 : i32 to vector<16xi32>
        %parallel_loop3A_97 = tpu.vector_load_idx %arg7[%parallel_loop3A_96] : memref<256xf32, #tpu.memory_space<vmem>>[vector<16xi32>], vector<16xf32>,
        %parallel_loop3A_98 = arith.subf %parallel_loop3A_97, %mul3A : vector<16xf32>
        %parallel_loop3A_99 = arith.mulf %parallel_loop3A_98, %parallel_loop3A_98 : vector<16xf32>
        %parallel_loop3A_100 = arith.mulf %parallel_loop3A_99, %mul3A_15 : vector<16xf32>
        %parallel_loop3A_101 = arith.subf %sub3A, %parallel_loop3A_100 : vector<16xf32>
        %parallel_loop3A_102 = arith.subf %parallel_loop3A_97, %mul3A_25 : vector<16xf32>
        %parallel_loop3A_103 = arith.mulf %parallel_loop3A_102, %parallel_loop3A_102 : vector<16xf32>
        %parallel_loop3A_104 = arith.mulf %parallel_loop3A_103, %mul3A_36 : vector<16xf32>
        %parallel_loop3A_105 = arith.subf %sub3A_29, %parallel_loop3A_104 : vector<16xf32>
        %parallel_loop3A_106 = arith.subf %parallel_loop3A_97, %mul3A_46 : vector<16xf32>
        %parallel_loop3A_107 = arith.mulf %parallel_loop3A_106, %parallel_loop3A_106 : vector<16xf32>
        %parallel_loop3A_108 = arith.mulf %parallel_loop3A_107, %mul3A_57 : vector<16xf32>
        %parallel_loop3A_109 = arith.subf %sub3A_50, %parallel_loop3A_108 : vector<16xf32>
        %parallel_loop3A_110 = arith.subf %parallel_loop3A_97, %mul3A_67 : vector<16xf32>
        %parallel_loop3A_111 = arith.mulf %parallel_loop3A_110, %parallel_loop3A_110 : vector<16xf32>
        %parallel_loop3A_112 = arith.mulf %parallel_loop3A_111, %mul3A_78 : vector<16xf32>
        %parallel_loop3A_113 = arith.subf %sub3A_71, %parallel_loop3A_112 : vector<16xf32>
        %parallel_loop3A_114 = arith.maximumf %parallel_loop3A_101, %parallel_loop3A_105 : vector<16xf32>
        %parallel_loop3A_115 = arith.maximumf %parallel_loop3A_109, %parallel_loop3A_113 : vector<16xf32>
        %parallel_loop3A_116 = arith.maximumf %parallel_loop3A_114, %parallel_loop3A_115 : vector<16xf32>
        %parallel_loop3A_117 = arith.constant true
        %parallel_loop3A_118 = vector.broadcast %parallel_loop3A_117 : i1 to vector<16xi1>
        %parallel_loop3A_119 = tpu.scan <max>, %parallel_loop3A_116 masked %parallel_loop3A_118 : vector<16xf32>, vector<16xi1> -> vector<16xf32>
        %parallel_loop3A_120 = vector.extract %parallel_loop3A_119[15] : f32 from vector<16xf32>
        %parallel_loop3A_121 = vector.broadcast %parallel_loop3A_120 : f32 to vector<16xf32>
        %parallel_loop3A_122 = arith.subf %parallel_loop3A_101, %parallel_loop3A_121 : vector<16xf32>
        %parallel_loop3A_123 = math.exp %parallel_loop3A_122 : vector<16xf32>
        %parallel_loop3A_124 = vector.broadcast %parallel_loop3A_120 : f32 to vector<16xf32>
        %parallel_loop3A_125 = arith.subf %parallel_loop3A_105, %parallel_loop3A_124 : vector<16xf32>
        %parallel_loop3A_126 = math.exp %parallel_loop3A_125 : vector<16xf32>
        %parallel_loop3A_127 = vector.broadcast %parallel_loop3A_120 : f32 to vector<16xf32>
        %parallel_loop3A_128 = arith.subf %parallel_loop3A_109, %parallel_loop3A_127 : vector<16xf32>
        %parallel_loop3A_129 = math.exp %parallel_loop3A_128 : vector<16xf32>
        %parallel_loop3A_130 = vector.broadcast %parallel_loop3A_120 : f32 to vector<16xf32>
        %parallel_loop3A_131 = arith.subf %parallel_loop3A_113, %parallel_loop3A_130 : vector<16xf32>
        %parallel_loop3A_132 = math.exp %parallel_loop3A_131 : vector<16xf32>
        %parallel_loop3A_133 = arith.addf %parallel_loop3A_123, %parallel_loop3A_126 : vector<16xf32>
        %parallel_loop3A_134 = arith.addf %parallel_loop3A_129, %parallel_loop3A_132 : vector<16xf32>
        %parallel_loop3A_135 = arith.addf %parallel_loop3A_133, %parallel_loop3A_134 : vector<16xf32>
        %parallel_loop3A_136 = arith.constant true
        %parallel_loop3A_137 = vector.broadcast %parallel_loop3A_136 : i1 to vector<16xi1>
        %parallel_loop3A_138 = tpu.scan <sum>, %parallel_loop3A_135 masked %parallel_loop3A_137 : vector<16xf32>, vector<16xi1> -> vector<16xf32>
        %parallel_loop3A_139 = vector.extract %parallel_loop3A_138[15] : f32 from vector<16xf32>
        %parallel_loop3A_140 = arith.constant 1.000000e+00 : f32
        %parallel_loop3A_141 = vector.broadcast %parallel_loop3A_140 : f32 to vector<16xf32>
        %parallel_loop3A_142 = vector.broadcast %parallel_loop3A_139 : f32 to vector<16xf32>
        %parallel_loop3A_143 = arith.divf %parallel_loop3A_141, %parallel_loop3A_142 : vector<16xf32>
        %parallel_loop3A_144 = arith.mulf %parallel_loop3A_123, %parallel_loop3A_143 : vector<16xf32>
        %parallel_loop3A_145 = arith.index_cast %parallel_loop3A_95 : i32 to index
        %parallel_loop3A_146 = arith.constant 0 : index
        %parallel_loop3A_147 = tpu.vector_load %arg11[%parallel_loop3A_145, %parallel_loop3A_146] {strides = array<i32>} : memref<256x64xf32, #tpu.memory_space<vmem>>, vector<16xf32>,
        tpu.vector_store %arg11[%parallel_loop3A_145, %parallel_loop3A_146], %parallel_loop3A_144 {strides = array<i32>} : memref<256x64xf32, #tpu.memory_space<vmem>>, vector<16xf32>,
        %parallel_loop3A_148 = arith.mulf %parallel_loop3A_126, %parallel_loop3A_143 : vector<16xf32>
        %parallel_loop3A_149 = arith.index_cast %parallel_loop3A_95 : i32 to index
        %parallel_loop3A_150 = arith.constant 16 : index
        %parallel_loop3A_151 = tpu.vector_load %arg11[%parallel_loop3A_149, %parallel_loop3A_150] {strides = array<i32>} : memref<256x64xf32, #tpu.memory_space<vmem>>, vector<16xf32>,
        tpu.vector_store %arg11[%parallel_loop3A_149, %parallel_loop3A_150], %parallel_loop3A_148 {strides = array<i32>} : memref<256x64xf32, #tpu.memory_space<vmem>>, vector<16xf32>,
        %parallel_loop3A_152 = arith.mulf %parallel_loop3A_129, %parallel_loop3A_143 : vector<16xf32>
        %parallel_loop3A_153 = arith.index_cast %parallel_loop3A_95 : i32 to index
        %parallel_loop3A_154 = arith.constant 32 : index
        %parallel_loop3A_155 = tpu.vector_load %arg11[%parallel_loop3A_153, %parallel_loop3A_154] {strides = array<i32>} : memref<256x64xf32, #tpu.memory_space<vmem>>, vector<16xf32>,
        tpu.vector_store %arg11[%parallel_loop3A_153, %parallel_loop3A_154], %parallel_loop3A_152 {strides = array<i32>} : memref<256x64xf32, #tpu.memory_space<vmem>>, vector<16xf32>,
        %parallel_loop3A_156 = arith.mulf %parallel_loop3A_132, %parallel_loop3A_143 : vector<16xf32>
        %parallel_loop3A_157 = arith.index_cast %parallel_loop3A_95 : i32 to index
        %parallel_loop3A_158 = arith.constant 48 : index
        %parallel_loop3A_159 = tpu.vector_load %arg11[%parallel_loop3A_157, %parallel_loop3A_158] {strides = array<i32>} : memref<256x64xf32, #tpu.memory_space<vmem>>, vector<16xf32>,
        tpu.vector_store %arg11[%parallel_loop3A_157, %parallel_loop3A_158], %parallel_loop3A_156 {strides = array<i32>} : memref<256x64xf32, #tpu.memory_space<vmem>>, vector<16xf32>,
      } {sc.loop_unroll_factor = 8 : i64, sc.parallel_access}
      "tpu.region"() ({
        %run_scoped3A = tpu.sem_alloc : memref<!tpu.dma_semaphore, #tpu.memory_space<semaphore_mem>>
        %dma_start3A = arith.constant 0 : i32
        %dma_start3A_95 = tpu.memref_slice %arg6[%add3A_92, %dma_start3A] : memref<65536x64xf32, #tpu.memory_space<hbm>> -> memref<256x64xf32, #tpu.memory_space<hbm>>
        %dma_start3A_96 = arith.constant 0 : i32
        %dma_start3A_97 = tpu.memref_slice %arg6[%add3A_92, %dma_start3A_96] : memref<65536x64xf32, #tpu.memory_space<hbm>> -> memref<256x64xf32, #tpu.memory_space<hbm>>
        tpu.enqueue_dma source(%arg11 : memref<256x64xf32, #tpu.memory_space<vmem>>) target(%dma_start3A_97 : memref<256x64xf32, #tpu.memory_space<hbm>>) target_semaphore(%run_scoped3A : memref<!tpu.dma_semaphore, #tpu.memory_space<semaphore_mem>>)
        %dma_wait3A = arith.constant 0 : i32
        %dma_wait3A_98 = tpu.memref_slice %arg6[%add3A_92, %dma_wait3A] : memref<65536x64xf32, #tpu.memory_space<hbm>> -> memref<256x64xf32, #tpu.memory_space<hbm>>
        %dma_wait3A_99 = arith.constant 0 : i32
        %dma_wait3A_100 = tpu.memref_slice %arg6[%add3A_92, %dma_wait3A_99] : memref<65536x64xf32, #tpu.memory_space<hbm>> -> memref<256x64xf32, #tpu.memory_space<hbm>>
        tpu.wait_dma2 semaphore(%run_scoped3A : memref<!tpu.dma_semaphore, #tpu.memory_space<semaphore_mem>>) src(%arg11 : memref<256x64xf32, #tpu.memory_space<vmem>>) dst(%dma_wait3A_100 : memref<256x64xf32, #tpu.memory_space<hbm>>)
        tpu.yield
      }) : () -> ()
    }
    %scan3A_88 = arith.constant 8 : i32
    return
  }
}

</mosaic_0001>

<sc_bundles>
// kernel: kernel.3.cloned.1.call-start
scs
__scs_entry_jumppad:
0x0: {  	(pc) =	sbr.rel $0x88, $3  }
0x1: {  	(tag) =	ssettag $0x0;
	lr =	simm.s32 $0x1  }
0x2: {  	[smem:$0x3F9D] =	sst lr;
	_ =	strace $0xD0000000  }
0x3: {  	_ = 	snop  }
0x4: {  	_ = 	snop  }
0x5: {  	_ = 	snop  }
0x6: {  	_ = 	snop  }
0x7: {  	_ = 	snop  }
__scs_overlays_trampoline_lowered:
0x8: {  	[smem:$0x3FAC] =	sst s0  }
0x9: {  	[smem:$0x3FAD] =	sst s1  }
0xa: {  	[smem:$0x3FAE] =	sst s2  }
0xb: {  	[smem:$0x3FAF] =	sst s3  }
0xc: {  	[smem:$0x3FB0] =	sst s4  }
0xd: {  	[smem:$0x3FB1] =	sst s5  }
0xe: {  	[smem:$0x3FB2] =	sst s6  }
0xf: {  	[smem:$0x3FB3] =	sst s7  }
0x10: {  	[smem:$0x3FB4] =	sst s8  }
0x11: {  	[smem:$0x3FB5] =	sst s9;
	s0 =	simm.s32 @!p0 $0x0  }
0x12: {  	s1 =	sld [smem:$0x3F9B];
	s0 =	simm.s32 @p0 $0x1  }
0x13: {  	[smem:$0x3FB6] =	sst s0;
	s0 =	simm.s32 @!p1 $0x0  }
0x14: {  	s2 =	sld [smem:$0x3F9A];
	s0 =	simm.s32 @p1 $0x1  }
0x15: {  	[smem:$0x3FB7] =	sst s0;
	s0 =	simm.s32 @!p2 $0x0  }
0x16: {  	s3 =	sld [smem:$0x3FDB];
	s0 =	simm.s32 @p2 $0x1  }
0x17: {  	s4 =	simm.s32 $0x1BF5;
	[smem:$0x3FB9] =	sst s0  }
0x18: {  	s0 =	sld [smem:$0x3F9C];
	_ =	swait.ge [sflag:s4], $0x0  }
0x19: {  	s7 =	sld [smem:$0x3F9D]  }
0x1a: {  	s8 =	sadd.s32 $0xFFFFE003, lr  }
0x1b: {  	s9 =	sadd.s32 $0xFFFFFEF7, lr;
	s5 =	simm.s32 $0xFFFFFFFF;
	p2 =	slt.u32 s8, $0xFFFFF086  }
0x1c: {  	p1 =	slt.u32 s9, $0xF7A;
	s5 =	simm.s32 @!p2 $0x0  }
0x1d: {  	s5 =	simm.s32 @p1 $0x1;
	p0 =	seq.s32 s7, s2  }
0x1e: {  	s7 =	smul.u32 @!p0 $0xF7A, s2;
	p2 =	seq.s32 @!p0 s5, $0x0  }
0x1f: {  	s9 =	smul.u32 $0xF7A, s1;
	s8 =	simm.s32 @!p0 $0x1BF5;
	p2 =	por !p2, p0  }
0x20: {  	[sflag:s8] =	ssyncset.s32 @!p0 $0xFFFFF086;
	s6 =	sadd.s32 @!p0 s3, s7;
	s7 =	simm.s32 @!p0 $0x108  }
0x21: {  	s3 =	sadd.s32 s3, s9;
	s6 =	sadd.s32 @!p0 $0x88, s6;
	s7 =	simm.s32 @p2 $0x1082  }
0x22: {  	[simem:s7], [sflag:s8] =	dma.local @!p0 [hbm:s6], $0xF7A  }
0x23: {  	s9 =	sor.u32 $0xD0000000, s2;
	s6 =	simm.s32 $0x108;
	_ =	swait.ge @!p0 [sflag:s8], $0x0  }
0x24: {  	s3 =	sadd.s32 $0x88, s3;
	s6 =	simm.s32 @!p1 $0x1082;
	[sflag:s4] =	ssyncset.s32 $0xFFFFF086  }
0x25: {  	[simem:s6], [sflag:s4] =	dma.local [hbm:s3], $0xF7A  }
0x26: {  	[smem:$0x3F9D] =	sst s1;
	(tag) =	ssettag s2;
	_ =	strace s9  }
0x27: {  	s1 =	sld [smem:$0x3FAD]  }
0x28: {  	s2 =	sld [smem:$0x3FAE]  }
0x29: {  	s4 =	sld [smem:$0x3FB0]  }
0x2a: {  	p0 =	seq.s32 s5, $0x0;
	s5 =	sld [smem:$0x3FB1]  }
0x2b: {  	s6 =	sld [smem:$0x3FB2]  }
0x2c: {  	s7 =	sld [smem:$0x3FB3]  }
0x2d: {  	s3 =	simm.s32 $0x108;
	s8 =	sld [smem:$0x3FB4]  }
0x2e: {  	s3 =	simm.s32 @!p0 $0x1082;
	s9 =	sld [smem:$0x3FB5]  }
0x2f: {  	lr =	sadd.s32 s0, s3;
	s0 =	sld [smem:$0x3FAC]  }
0x30: {  	s3 =	sld [smem:$0x3FAF]  }
0x31: {  	[smem:$0x3FB8] =	sst s10  }
0x32: {  	s10 =	sld [smem:$0x3FB6];
	_ =	sdelay $0x3  }
0x33: {  	p0 =	seq.s32 s10, $0x1;
	s10 =	sld [smem:$0x3FB8];
	_ =	sdelay $0x3  }
0x34: {  	[smem:$0x3FB8] =	sst s10  }
0x35: {  	s10 =	sld [smem:$0x3FB7];
	_ =	sdelay $0x3  }
0x36: {  	p1 =	seq.s32 s10, $0x1;
	s10 =	sld [smem:$0x3FB8];
	_ =	sdelay $0x3  }
0x37: {  	[smem:$0x3FB8] =	sst s10  }
0x38: {  	s10 =	sld [smem:$0x3FB9]  }
0x39: {  	_ = 	snop;
	(pc) =	sbr.ind lr, $3  }
0x3a: {  	_ = 	snop  }
0x3b: {  	_ = 	snop  }
0x3c: {  	p2 =	seq.s32 s10, $0x1;
	s10 =	sld [smem:$0x3FB8]  }
0x3d: {  	_ =	shalt  }
0x3e: {  	_ =	shalt  }
0x3f: {  	_ =	shalt  }
0x40: {  	_ =	shalt  }
0x41: {  	_ =	shalt  }
0x42: {  	_ =	shalt  }
0x43: {  	_ =	shalt  }
0x44: {  	_ =	shalt  }
0x45: {  	_ =	shalt  }
0x46: {  	_ =	shalt  }
0x47: {  	_ =	shalt  }
0x48: {  	_ =	shalt  }
0x49: {  	_ =	shalt  }
0x4a: {  	_ =	shalt  }
0x4b: {  	_ =	shalt  }
0x4c: {  	_ =	shalt  }
0x4d: {  	_ =	shalt  }
0x4e: {  	_ =	shalt  }
0x4f: {  	_ =	shalt  }
0x50: {  	_ =	shalt  }
0x51: {  	_ =	shalt  }
0x52: {  	_ =	shalt  }
0x53: {  	_ =	shalt  }
0x54: {  	_ =	shalt  }
0x55: {  	_ =	shalt  }
0x56: {  	_ =	shalt  }
0x57: {  	_ =	shalt  }
0x58: {  	_ =	shalt  }
0x59: {  	_ =	shalt  }
0x5a: {  	_ =	shalt  }
0x5b: {  	_ =	shalt  }
0x5c: {  	_ =	shalt  }
0x5d: {  	_ =	shalt  }
0x5e: {  	_ =	shalt  }
0x5f: {  	_ =	shalt  }
0x60: {  	_ =	shalt  }
0x61: {  	_ =	shalt  }
0x62: {  	_ =	shalt  }
0x63: {  	_ =	shalt  }
0x64: {  	_ =	shalt  }
0x65: {  	_ =	shalt  }
0x66: {  	_ =	shalt  }
0x67: {  	_ =	shalt  }
0x68: {  	_ =	shalt  }
0x69: {  	_ =	shalt  }
0x6a: {  	_ =	shalt  }
0x6b: {  	_ =	shalt  }
0x6c: {  	_ =	shalt  }
0x6d: {  	_ =	shalt  }
0x6e: {  	_ =	shalt  }
0x6f: {  	_ =	shalt  }
0x70: {  	_ =	shalt  }
0x71: {  	_ =	shalt  }
0x72: {  	_ =	shalt  }
0x73: {  	_ =	shalt  }
0x74: {  	_ =	shalt  }
0x75: {  	_ =	shalt  }
0x76: {  	_ =	shalt  }
0x77: {  	_ =	shalt  }
0x78: {  	_ =	shalt  }
0x79: {  	_ =	shalt  }
0x7a: {  	_ =	shalt  }
0x7b: {  	_ =	shalt  }
0x7c: {  	_ =	shalt  }
0x7d: {  	_ =	shalt  }
0x7e: {  	_ =	shalt  }
0x7f: {  	_ =	shalt  }
0x80: {  	_ =	shalt  }
0x81: {  	_ =	shalt  }
0x82: {  	_ =	shalt  }
0x83: {  	_ =	shalt  }
0x84: {  	_ =	shalt  }
0x85: {  	_ =	shalt  }
0x86: {  	_ =	shalt  }
0x87: {  	_ =	shalt  }
.Lfunc_end0:
.L_simem_size_0:
called_computation_lowered:
.L_overlay_start_0:
0x88: {  	s2 =	sld [smem:$0x3FD9]  }
0x89: {  	s3 =	sld [smem:$0x3FFE];
	_ =	sdelay $0x1  }
0x8a: {  	s1 =	srdreg.scid  }
0x8b: {  	s0 =	sand.u32 $0x1, s1  }
0x8c: {  	s17 =	sshll.u32 s0, $0xA;
	s2 =	sadd.s32 s3, s2  }
0x8d: {  	s2 =	sadd.s32 s2, s17  }
0x8e: {  	[smem:$0x3FC4] =	sst s2  }
0x8f: {  	_ = 	snop  }
0x90: {  	s2 =	sld [smem:$0x3FC9]  }
0x91: {  	s18 =	sld [smem:$0x3FC8]  }
0x92: {  	s4 =	sld [smem:$0x3FC7];
	(tm) =	ssettm $0x1  }
0x93: {  	s5 =	sld [smem:$0x3FFB];
	_ =	sdelay $0x3  }
0x94: {  	_ =	strace s5  }
0x95: {  	s5 =	sld [smem:$0x3FFC];
	_ =	sdelay $0x3  }
0x96: {  	_ =	strace s5  }
0x97: {  	s5 =	sld [smem:$0x3FFD];
	_ =	sdelay $0x3  }
0x98: {  	_ =	strace s5  }
0x99: {  	_ =	strace $0x8FFFFFFF  }
0x9a: {  	s19 =	sld [smem:$0x3FDB];
	_ =	sdelay $0x1  }
0x9b: {  	s6 =	simm.s32 $_scs_section_size  }
0x9c: {  	s7 =	simm.s32 $_size__tile_overlayer_lowered;
	s8 =	simm.s32 $_tile_overlayer_lowered  }
0x9d: {  	s22 =	simm.s32 $0x1BFF;
	s21 =	sshll.u32 s8, $0x1;
	s5 =	sadd.s32 s6, s19  }
0x9e: {  	s9 =	simm.s32 $0x0;
	s20 =	sshll.u32 s7, $0x1;
	s7 =	sadd.s32 s21, s5  }
0x9f: {  	[timem:s9], [sflag:s22] =	dma.local [hbm:s7], s20  }
0xa0: {  	_ =	swait.ge [sflag:s22], s20  }
0xa1: {  	s6 =	ssub.s32 $0x0, s20;
	[sflag:s22] =	ssyncset.done $0x0  }
0xa2: {  	[sflag:s22] =	ssyncadd.s32 s6;
	_ =	sdelay $0x1  }
0xa3: {  	s23 =	simm.s32 $0x1B8B  }
0xa4: {  	_ =	swait.ge [sflag:s23], $0x1  }
0xa5: {  	[sflag:s23] =	ssyncset.done $0x0  }
0xa6: {  	s25 =	simm.s32 $0x1B8E;
	s24 =	sld [smem:$0x3FFE];
	[sflag:s23] =	ssyncadd.s32 $0xFFFFFFFF  }
0xa7: {  	s26 =	simm.s32 $execute0_lowered;
	[smem:$0x3FD2] =	sst s25  }
0xa8: {  	s7 =	sshll.u32 s26, $0x1;
	_ =	strace $0x80000046;
	[dreg:$0x1] =	wrdreg $0xFFFFFFFF  }
0xa9: {  	s28 =	simm.s32 $_size_execute0_lowered;
	s5 =	sadd.s32 s5, s7;
	[dreg:$0x0] =	wrdreg $0x0  }
0xaa: {  	s7 =	sshll.u32 s28, $0x1;
	[dreg:$0x2] =	wrdreg s5  }
0xab: {  	[dreg:$0x3] =	wrdreg s7  }
0xac: {  	[dreg:$0x4] =	wrdreg $0xC0  }
0xad: {  	_ =	task [dreg:s9], $0x5FFFF  }
0xae: {  	[dreg:$0x1] =	wrdreg $0xFFFFFFFF  }
0xaf: {  	[dreg:$0x0] =	wrdreg $0x60  }
0xb0: {  	[dreg:$0x2] =	wrdreg s2  }
0xb1: {  	[dreg:$0x3] =	wrdreg s18  }
0xb2: {  	[dreg:$0x4] =	wrdreg s4  }
0xb3: {  	[dreg:$0x5] =	wrdreg s24  }
0xb4: {  	[dreg:$0x6] =	wrdreg $0x9  }
0xb5: {  	_ =	task.clear_ibuf [dreg:s9], $0x7FFFF;
	_ =	strace $0x90000046  }
0xb6: {  	s29 =	simm.s32 $0x9;
	_ =	strace $0x80000048  }
0xb7: {  	_ =	swait.ge [sflag:s29], $0x1  }
0xb8: {  	[sflag:s29] =	ssyncadd.s32 $0xFFFFFFFF  }
0xb9: {  	_ =	strace $0x90000048  }
0xba: {  	_ =	sfence  }
0xbb: {  	s30 =	sld [smem:$0x0];
	_ =	sdelay $0x2  }
0xbc: {  	s31 =	sshll.u32 s1, $0xD;
	s1 =	sshrl.u32 s1, $0x2  }
0xbd: {  	s3 =	sand.u32 $0x4000, s31;
	s1 =	sadd.s32 s1, s30  }
0xbe: {  	s0 =	sor.u32 s3, s0;
	s1 =	sshll.u32 s1, $0x11  }
0xbf: {  	s0 =	sor.u32 s1, s0  }
0xc0: {  	s0 =	sadd.s32 $0x8F2B, s0  }
0xc1: {  	[sflag:s0] =	ssyncadd.remote.s32 $0x1  }
0xc2: {  	_ =	sfence.sel $0xFFFF  }
0xc3: {  	[dreg:$0x0] =	wrdreg $0xFFFFFFFF;
	(pc) =	sbr.abs _section_cstart, $3  }
0xc4: {  	[dreg:$0x1] =	wrdreg $0xFFFFFFFF  }
0xc5: {  	_ =	task.clear_ibuf [dreg:s9], $0x2FFFF;
	_ =	strace $0x9FFFFFFF  }
0xc6: {  	(tm) =	ssettm $0x7FFFFFFF  }
0xc7: {  	_ =	shalt  }
tec
execute0_lowered:
.L_overlay_start_1:
0x0: {  	(tag) =	ssettag $0x1  }
0x1: {  	v0 =	vimm.f32 $1.500000000e+01  }
0x2: {  	vm14 =	vcmask $0x300;
	vm13 =	vcmask $0x704;
	vm12 =	vcmask $0xB08  }
0x3: {  	vm11 =	vcmask $0xF0C;
	vm10 =	vcmask $0x1310;
	vm9 =	vcmask $0x1714  }
0x4: {  	vm8 =	vcmask $0x1B18;
	vm7 =	vcmask $0x1F1C;
	vm6 =	vcmask $0x2320  }
0x5: {  	vm5 =	vcmask $0x2724;
	vm4 =	vcmask $0x2B28;
	vm3 =	vcmask $0x2F2C  }
0x6: {  	vm2 =	vcmask $0x3330;
	vm1 =	vcmask $0x3734;
	vm0 =	vcmask $0x3B38  }
0x7: {  	v1 =	vimm.f32 $3.100000000e+01;
	v2 =	vimm.f32 $4.700000000e+01;
	v3 =	vimm.f32 $6.300000000e+01  }
0x8: {  	v0 =	vsel vm14, $0x0, v0;
	v1 =	vsel vm14, $0x41800000, v1;
	v2 =	vsel vm14, $0x42000000, v2  }
0x9: {  	v3 =	vsel vm14, $0x42400000, v3;
	v0 =	vsel vm13, $0x3F800000, v0;
	v1 =	vsel vm13, $0x41880000, v1  }
0xa: {  	v2 =	vsel vm13, $0x42040000, v2;
	v3 =	vsel vm13, $0x42440000, v3;
	v0 =	vsel vm12, $0x40000000, v0  }
0xb: {  	v1 =	vsel vm12, $0x41900000, v1;
	v2 =	vsel vm12, $0x42080000, v2;
	v3 =	vsel vm12, $0x42480000, v3  }
0xc: {  	v0 =	vsel vm11, $0x40400000, v0;
	v1 =	vsel vm11, $0x41980000, v1;
	v2 =	vsel vm11, $0x420C0000, v2  }
0xd: {  	v3 =	vsel vm11, $0x424C0000, v3;
	v0 =	vsel vm10, $0x40800000, v0;
	v1 =	vsel vm10, $0x41A00000, v1  }
0xe: {  	v2 =	vsel vm10, $0x42100000, v2;
	v3 =	vsel vm10, $0x42500000, v3;
	v0 =	vsel vm9, $0x40A00000, v0  }
0xf: {  	v1 =	vsel vm9, $0x41A80000, v1;
	v2 =	vsel vm9, $0x42140000, v2;
	v3 =	vsel vm9, $0x42540000, v3  }
0x10: {  	v0 =	vsel vm8, $0x40C00000, v0;
	v1 =	vsel vm8, $0x41B00000, v1;
	v2 =	vsel vm8, $0x42180000, v2  }
0x11: {  	v3 =	vsel vm8, $0x42580000, v3;
	v0 =	vsel vm7, $0x40E00000, v0;
	v1 =	vsel vm7, $0x41B80000, v1  }
0x12: {  	s0 =	rddreg [dreg:$0x0];
	v2 =	vsel vm7, $0x421C0000, v2;
	v3 =	vsel vm7, $0x425C0000, v3;
	v0 =	vsel vm6, $0x41000000, v0  }
0x13: {  	s1 =	rddreg [dreg:$0x1];
	v1 =	vsel vm6, $0x41C00000, v1;
	v2 =	vsel vm6, $0x42200000, v2;
	v3 =	vsel vm6, $0x42600000, v3  }
0x14: {  	s2 =	rddreg [dreg:$0x2];
	v0 =	vsel vm5, $0x41100000, v0;
	v1 =	vsel vm5, $0x41C80000, v1;
	v2 =	vsel vm5, $0x42240000, v2  }
0x15: {  	s7 =	rddreg [dreg:$0x3];
	v3 =	vsel vm5, $0x42640000, v3;
	v0 =	vsel vm4, $0x41200000, v0;
	v1 =	vsel vm4, $0x41D00000, v1  }
0x16: {  	s3 =	rddreg [dreg:$0x4];
	v2 =	vsel vm4, $0x42280000, v2;
	v3 =	vsel vm4, $0x42680000, v3;
	v0 =	vsel vm3, $0x41300000, v0  }
0x17: {  	s4 =	simm.s32 $0x0;
	s5 =	srdreg.scid;
	s11 =	simm.s32 $0x1;
	v1 =	vsel vm3, $0x41D80000, v1;
	v2 =	vsel vm3, $0x422C0000, v2;
	v0 =	vsel vm2, $0x41400000, v0  }
0x18: {  	s12 =	simm.s32 $0x180;
	s13 =	simm.s32 $0x200;
	s14 =	simm.s32 $0x280;
	v3 =	vsel vm3, $0x426C0000, v3;
	v1 =	vsel vm2, $0x41E00000, v1;
	v0 =	vsel vm1, $0x41500000, v0  }
0x19: {  	s15 =	simm.s32 $0x0;
	[smem:$0x7FF] =	sst s4;
	s8 =	sand.u32 $0x1, s5;
	v2 =	vsel vm2, $0x42300000, v2;
	v1 =	vsel vm1, $0x41E80000, v1;
	v0 =	vsel vm0, $0x41600000, v0  }
0x1a: {  	s6 =	sadd.s32 $0x400, s7;
	s5 =	stileid.u32;
	s9 =	ssub.s32 $0x2, s8;
	v3 =	vsel vm2, $0x42700000, v3;
	v2 =	vsel vm1, $0x42340000, v2;
	v61 =	vsel vm0, $0x41F00000, v1;
	[tilespmem:$0x1FFC0] =	vst v0  }
0x1b: {  	s7 =	sadd.s32 $0x600, s7;
	s10 =	sshrl.u32 s9, $0x1;
	v3 =	vsel vm1, $0x42740000, v3;
	v62 =	vsel vm0, $0x42380000, v2;
	_ =	strace $0x80000047;
	[tilespmem:$0x1FFD0] =	vst v61  }
0x1c: {  	s31 =	sshll.u32 s5, $0xC;
	s8 =	sshll.u32 s8, $0xB;
	s9 =	ssub.s32 s9, s10;
	v63 =	vsel vm0, $0x42780000, v3;
	[tilespmem:$0x1FFE0] =	vst v62  }
0x1d: {  	s8 =	sor.u32 s8, s31;
	s10 =	simm.s32 $0x100;
	s9 =	smax.u32 s9, $0x1;
	[tilespmem:$0x1FFF0] =	vst v63  }
.LBB2_1:
0x1e: {  	[tilespmem:s10], [sflag:$0x1] =	stream.linear.gather [hbm4b:s1+s4], $0x80, $0x38;
	[tilespmem:$0x8280] =	vst v63  }
0x1f: {  	_ =	swait.ge [sflag:s11], $0x80  }
0x20: {  	[sflag:s11] =	ssyncset.done $0x0  }
0x21: {  	[sflag:s11] =	ssyncadd.s32 $0xFFFFFF80  }
0x22: {  	[tilespmem:s12], [sflag:$0x1] =	stream.linear.gather [hbm4b:s2+s4], $0x80, $0x38;
	[tilespmem:$0x8280] =	vst v63  }
0x23: {  	_ =	swait.ge [sflag:s11], $0x80  }
0x24: {  	[sflag:s11] =	ssyncset.done $0x0  }
0x25: {  	[sflag:s11] =	ssyncadd.s32 $0xFFFFFF80  }
0x26: {  	[tilespmem:s13], [sflag:$0x1] =	stream.linear.gather [hbm4b:s6+s4], $0x80, $0x38;
	[tilespmem:$0x8280] =	vst v63  }
0x27: {  	_ =	swait.ge [sflag:s11], $0x80  }
0x28: {  	[sflag:s11] =	ssyncset.done $0x0  }
0x29: {  	[sflag:s11] =	ssyncadd.s32 $0xFFFFFF80  }
0x2a: {  	v6 =	vld [tilespmem:$0x180]  }
0x2b: {  	v8 =	vld [tilespmem:$0x190];
	_ =	sdelay $0x2  }
0x2c: {  	v11 =	vld [tilespmem:$0x1A0]  }
0x2d: {  	v13 =	vld [tilespmem:$0x1B0];
	v4 =	vmul.f32 $-2.000000000e+00, v6  }
0x2e: {  	v5 =	vmul.f32 $-2.000000000e+00, v8  }
0x2f: {  	v4 =	vmul.f32 $1.442695020e+00, v4  }
0x30: {  	v5 =	vmul.f32 $1.442695020e+00, v5  }
0x31: {  	(erf) = vpow2.f32 v4;
	v4 =	vmul.f32 $-2.000000000e+00, v11  }
0x32: {  	v0 =	vld [tilespmem:$0x1FFC0];
	v7 =	vmul.f32 $-2.000000000e+00, v13  }
0x33: {  	v62 =	vld [tilespmem:$0x1FFE0];
	(erf) = vpow2.f32 v5;
	v4 =	vmul.f32 $1.442695020e+00, v4  }
0x34: {  	v14 =	vld [tilespmem:$0x200];
	v5 =	vmul.f32 $1.442695020e+00, v7  }
0x35: {  	v9 =	vld [tilespmem:$0x110];
	(erf) = vpow2.f32 v4  }
0x36: {  	v10 =	vld [tilespmem:$0x120];
	(erf) = vpow2.f32 v5  }
0x37: {  	v7 =	vld [tilespmem:$0x100]  }
0x38: {  	v12 =	vld [tilespmem:$0x130]  }
0x39: {  	v61 =	vld [tilespmem:$0x1FFD0]  }
0x3a: {  	v63 =	vld [tilespmem:$0x1FFF0];
	v9 =	vmul.f32 $5.000000000e-01, v9  }
0x3b: {  	v16 =	vmul.f32 $5.000000000e-01, v10;
	v5 =	vpop (erf)  }
0x3c: {  	v10 =	vmul.f32 v62, v14;
	v8 =	vsub.f32 v9, v8;
	v7 =	vmul.f32 $5.000000000e-01, v7;
	v15 =	vpop (erf)  }
0x3d: {  	v11 =	vsub.f32 v16, v11;
	v9 =	vmul.f32 $5.000000000e-01, v15;
	v15 =	vmul.f32 $5.000000000e-01, v12  }
0x3e: {  	v4 =	vmul.f32 v0, v14;
	v6 =	vsub.f32 v7, v6;
	v7 =	vmul.f32 v61, v14;
	v17 =	vpop (erf)  }
0x3f: {  	v14 =	vmul.f32 v63, v14;
	v5 =	vmul.f32 $5.000000000e-01, v5;
	v13 =	vsub.f32 v15, v13;
	v16 =	vpop (erf)  }
0x40: {  	s16 =	simm.s32 $0x0;
	v12 =	vmul.f32 $5.000000000e-01, v17;
	v15 =	vmul.f32 $5.000000000e-01, v16  }
.LBB2_2:
0x41: {  	s17 =	sshll.u32 s16, $0x8  }
0x42: {  	s20 =	simm.s32 $0x0;
	s17 =	sadd.s32 s8, s17  }
0x43: {  	s19 =	simm.s32 $0x7;
	v17 =	vmov s20;
	s18 =	sshrl.u32 s17, $0x3  }
0x44: {  	s29 =	simm.s32 $0x1;
	v16 =	vmov s19;
	v17 =	vand.u32 $0xFFFFFFF8, v17;
	s18 =	sadd.s32 s0, s18  }
0x45: {  	v18 =	vmov s29;
	v17 =	vbroadcast v17, $0x0;
	[tilespmem:s20], [sflag:$0x1] =	stream.linear.gather [hbm4b:s18+s20], $0x100, $0x38;
	[tilespmem:$0x8280] =	vst v63  }
0x46: {  	s30 =	simm.s32 $0x2;
	v18 =	vand.u32 $0xFFFFFFF9, v18;
	_ =	swait.ge [sflag:s11], $0x100  }
0x47: {  	v19 =	vmov s30;
	v18 =	vbroadcast v18, $0x0;
	[sflag:s11] =	ssyncset.done $0x0  }
0x48: {  	v19 =	vand.u32 $0xFFFFFFFA, v19;
	[sflag:s11] =	ssyncadd.s32 $0xFFFFFF00  }
0x49: {  	v19 =	vbroadcast v19, $0x0;
	v16 =	vld.idx.msk [tilespmem:v16+s4+$0x0], $0xffff  }
0x4a: {  	s31 =	simm.s32 $0x3  }
0x4b: {  	v20 =	vmov s31;
	v17 =	vld.idx.msk [tilespmem:v17+s4+$0x0], $0xffff  }
0x4c: {  	v20 =	vand.u32 $0xFFFFFFFB, v20  }
0x4d: {  	v20 =	vbroadcast v20, $0x0;
	v18 =	vld.idx.msk [tilespmem:v18+s4+$0x0], $0xffff  }
0x4e: {  	s21 =	simm.s32 $0x5;
	v23 =	vsub.f32 v16, v4  }
0x4f: {  	v22 =	vmov s21;
	v19 =	vld.idx.msk [tilespmem:v19+s4+$0x0], $0xffff;
	v24 =	vsub.f32 v16, v7;
	v25 =	vsub.f32 v16, v10  }
0x50: {  	v22 =	vand.u32 $0xFFFFFFFD, v22;
	v16 =	vsub.f32 v16, v14;
	v26 =	vsub.f32 v17, v4  }
0x51: {  	v22 =	vbroadcast v22, $0x0;
	s20 =	simm.s32 $0x4;
	v27 =	vsub.f32 v17, v7;
	v28 =	vsub.f32 v17, v10  }
0x52: {  	v21 =	vmov s20;
	v17 =	vsub.f32 v17, v14;
	v29 =	vsub.f32 v18, v4  }
0x53: {  	v21 =	vand.u32 $0xFFFFFFFC, v21;
	v20 =	vld.idx.msk [tilespmem:v20+s4+$0x0], $0xffff;
	v30 =	vsub.f32 v18, v7;
	v31 =	vsub.f32 v18, v10  }
0x54: {  	v21 =	vbroadcast v21, $0x0;
	v18 =	vsub.f32 v18, v14;
	v32 =	vsub.f32 v19, v4  }
0x55: {  	v33 =	vsub.f32 v19, v7;
	v23 =	vmul.f32 v23, v23;
	v24 =	vmul.f32 v24, v24  }
0x56: {  	v34 =	vsub.f32 v19, v10;
	v25 =	vmul.f32 v25, v25;
	v16 =	vmul.f32 v16, v16  }
0x57: {  	v22 =	vld.idx.msk [tilespmem:v22+s4+$0x0], $0xffff;
	v19 =	vsub.f32 v19, v14;
	v26 =	vmul.f32 v26, v26;
	v27 =	vmul.f32 v27, v27  }
0x58: {  	v35 =	vsub.f32 v20, v4;
	v28 =	vmul.f32 v28, v28;
	v17 =	vmul.f32 v17, v17  }
0x59: {  	v36 =	vsub.f32 v20, v7;
	v29 =	vmul.f32 v29, v29;
	v30 =	vmul.f32 v30, v30  }
0x5a: {  	v37 =	vsub.f32 v20, v10;
	v31 =	vmul.f32 v31, v31;
	v18 =	vmul.f32 v18, v18  }
0x5b: {  	v20 =	vsub.f32 v20, v14;
	v32 =	vmul.f32 v32, v32;
	v33 =	vmul.f32 v33, v33  }
0x5c: {  	v41 =	vsub.f32 v22, v4;
	v34 =	vmul.f32 v34, v34;
	v19 =	vmul.f32 v19, v19  }
0x5d: {  	v42 =	vsub.f32 v22, v7;
	v35 =	vmul.f32 v35, v35;
	v36 =	vmul.f32 v36, v36  }
0x5e: {  	v43 =	vsub.f32 v22, v10;
	v37 =	vmul.f32 v37, v37;
	v20 =	vmul.f32 v20, v20  }
0x5f: {  	v41 =	vmul.f32 v41, v41;
	v42 =	vmul.f32 v42, v42  }
0x60: {  	v21 =	vld.idx.msk [tilespmem:v21+s4+$0x0], $0xffff;
	v43 =	vmul.f32 v43, v43;
	v23 =	vmul.f32 v23, v5  }
0x61: {  	v24 =	vmul.f32 v24, v9;
	v25 =	vmul.f32 v25, v12  }
0x62: {  	v16 =	vmul.f32 v16, v15;
	v27 =	vmul.f32 v27, v9  }
0x63: {  	v28 =	vmul.f32 v28, v12;
	v45 =	vmul.f32 v17, v15  }
0x64: {  	v29 =	vmul.f32 v29, v5;
	v30 =	vmul.f32 v30, v9  }
0x65: {  	v38 =	vsub.f32 v21, v4;
	v31 =	vmul.f32 v31, v12;
	v18 =	vmul.f32 v18, v15  }
0x66: {  	v39 =	vsub.f32 v21, v7;
	v32 =	vmul.f32 v32, v5;
	v33 =	vmul.f32 v33, v9  }
0x67: {  	v40 =	vsub.f32 v21, v10;
	v34 =	vmul.f32 v34, v12;
	v47 =	vmul.f32 v19, v15  }
0x68: {  	v21 =	vsub.f32 v21, v14;
	v35 =	vmul.f32 v35, v5;
	v36 =	vmul.f32 v36, v9  }
0x69: {  	v37 =	vmul.f32 v37, v12;
	v63 =	vmul.f32 v43, v12;
	v46 =	vsub.f32 v6, v23  }
0x6a: {  	v23 =	vsub.f32 v8, v24;
	v24 =	vsub.f32 v11, v25;
	v25 =	vmul.f32 v20, v15  }
0x6b: {  	v17 =	vsub.f32 v13, v16;
	v44 =	vmul.f32 v21, v21;
	v21 =	vsub.f32 v22, v14  }
0x6c: {  	v38 =	vmul.f32 v38, v38;
	v20 =	vsub.f32 v11, v28;
	v19 =	vsub.f32 v13, v45  }
0x6d: {  	v39 =	vmul.f32 v39, v39;
	v45 =	vsub.f32 v8, v30;
	v48 =	vsub.f32 v11, v31  }
0x6e: {  	v40 =	vmul.f32 v40, v40;
	v49 =	vsub.f32 v13, v18;
	v50 =	vsub.f32 v6, v32  }
0x6f: {  	v22 =	vmul.f32 v26, v5;
	v51 =	vsub.f32 v8, v33;
	v34 =	vsub.f32 v11, v34  }
0x70: {  	s22 =	simm.s32 $0x6;
	v31 =	vmul.f32 v42, v9;
	v42 =	vsub.f32 v8, v36;
	v26 =	vmul.f32 v21, v21  }
0x71: {  	v21 =	vsub.f32 v6, v22;
	v22 =	vsub.f32 v8, v27;
	v27 =	vmov s22  }
0x72: {  	v37 =	vsub.f32 v11, v37;
	v38 =	vmul.f32 v38, v5;
	v27 =	vand.u32 $0xFFFFFFFE, v27  }
0x73: {  	v43 =	vsub.f32 v13, v25;
	v16 =	vmul.f32 v39, v9;
	v18 =	vbroadcast v27, $0x0  }
0x74: {  	v61 =	vmul.f32 v40, v12;
	v62 =	vmul.f32 v44, v15;
	v44 =	vsub.f32 v6, v29  }
0x75: {  	v29 =	vmul.f32 v41, v5;
	v41 =	vsub.f32 v13, v47;
	v47 =	vsub.f32 v6, v35  }
0x76: {  	v36 =	vsub.f32 v8, v31;
	v35 =	vsub.f32 v11, v63;
	v31 =	vmax.f32 v20, v19  }
0x77: {  	v0 =	vmax.f32 v50, v51;
	v52 =	vmax.f32 v37, v43;
	v38 =	vsub.f32 v6, v38  }
0x78: {  	v25 =	vmul.f32 v26, v15;
	v27 =	vsub.f32 v8, v16;
	v28 =	vsub.f32 v11, v61  }
0x79: {  	v16 =	vmax.f32 v46, v23;
	v30 =	vsub.f32 v13, v62;
	v29 =	vsub.f32 v6, v29;
	v18 =	vld.idx.msk [tilespmem:v18+s4+$0x0], $0xffff  }
0x7a: {  	v26 =	vmax.f32 v24, v17;
	v1 =	vmax.f32 v34, v41;
	v2 =	vmax.f32 v47, v42  }
0x7b: {  	v16 =	vmax.f32 v16, v26;
	v26 =	vmax.f32 v21, v22;
	v33 =	vsub.f32 v13, v25  }
0x7c: {  	v25 =	vmax.f32 v26, v31;
	v26 =	vmax.f32 v44, v45;
	v31 =	vmax.f32 v48, v49  }
0x7d: {  	v53 =	vmax.f32 v38, v27;
	v54 =	vmax.f32 v28, v30;
	v55 =	vmax.f32 v29, v36  }
0x7e: {  	(xrf0) =	vmax.scan.msk.f32 $0xffff, v16;
	v16 =	vmax.f32 v26, v31;
	v56 =	vsub.f32 v18, v4;
	v57 =	vsub.f32 v18, v7  }
0x7f: {  	(xrf0) =	vmax.scan.msk.f32 $0xffff, v25;
	v25 =	vmax.f32 v0, v1;
	v59 =	vsub.f32 v18, v10;
	v18 =	vsub.f32 v18, v14  }
0x80: {  	v58 =	vmax.f32 v35, v33;
	(xrf0) =	vmax.scan.msk.f32 $0xffff, v16;
	v26 =	vmul.f32 v56, v56;
	v31 =	vmul.f32 v57, v57  }
0x81: {  	v16 =	vmax.f32 v2, v52;
	(xrf0) =	vmax.scan.msk.f32 $0xffff, v25;
	v60 =	vmul.f32 v59, v59;
	v18 =	vmul.f32 v18, v18  }
0x82: {  	(xrf0) =	vmax.scan.msk.f32 $0xffff, v16;
	v16 =	vmax.f32 v55, v58;
	v26 =	vmul.f32 v26, v5;
	v31 =	vmul.f32 v31, v9  }
0x83: {  	v25 =	vmax.f32 v53, v54;
	v32 =	vmul.f32 v60, v12;
	v18 =	vmul.f32 v18, v15  }
0x84: {  	s23 =	simm.s32 $0x8;
	(xrf0) =	vmax.scan.msk.f32 $0xffff, v25;
	v26 =	vsub.f32 v6, v26;
	v40 =	vsub.f32 v8, v31  }
0x85: {  	v25 =	vmov s23;
	(xrf0) =	vmax.scan.msk.f32 $0xffff, v16;
	v16, _, _ =	vpop (xrf0);
	v52 =	vsub.f32 v11, v32;
	v53 =	vsub.f32 v13, v18  }
0x86: {  	v18 =	vand.u32 $0xFFFFFFF8, v25;
	v25 =	vbroadcast v16, $0xF  }
0x87: {  	v31, _, _ =	vpop (xrf0);
	v61 =	vmax.f32 v26, v40;
	v62 =	vmax.f32 v52, v53  }
0x88: {  	v46 =	vsub.f32 v46, v25;
	v16, _, _ =	vpop (xrf0);
	v32 =	vmax.f32 v61, v62  }
0x89: {  	v39 =	vbroadcast v31, $0xF;
	v63, _, _ =	vpop (xrf0);
	v16 =	vbroadcast v16, $0xF;
	(xrf0) =	vmax.scan.msk.f32 $0xffff, v32  }
0x8a: {  	v17 =	vsub.f32 v17, v25;
	v46 =	vmul.f32 $1.442695020e+00, v46;
	v0, _, _ =	vpop (xrf0);
	v54 =	vbroadcast v63, $0xF  }
0x8b: {  	v55 =	vbroadcast v0, $0xF;
	v2, _, _ =	vpop (xrf0);
	v44 =	vsub.f32 v44, v16;
	v45 =	vsub.f32 v45, v16  }
0x8c: {  	v48 =	vsub.f32 v48, v16;
	v16 =	vsub.f32 v49, v16;
	(erf) = vpow2.f32 v46;
	v60, _, _ =	vpop (xrf0)  }
0x8d: {  	v56 =	vbroadcast v2, $0xF;
	v61 =	vsub.f32 v50, v54;
	v57 =	vbroadcast v60, $0xF  }
0x8e: {  	v62 =	vsub.f32 v51, v54;
	v44 =	vmul.f32 $1.442695020e+00, v44;
	v45 =	vmul.f32 $1.442695020e+00, v45  }
0x8f: {  	v34 =	vsub.f32 v34, v54;
	v48 =	vmul.f32 $1.442695020e+00, v48;
	v16 =	vmul.f32 $1.442695020e+00, v16;
	v63, _, _ =	vpop (xrf0)  }
0x90: {  	v41 =	vsub.f32 v41, v54;
	(erf) = vpow2.f32 v44;
	v50 =	vbroadcast v63, $0xF  }
0x91: {  	v42 =	vsub.f32 v42, v55;
	v0 =	vmul.f32 $1.442695020e+00, v61;
	(erf) = vpow2.f32 v45  }
0x92: {  	v2 =	vmul.f32 $1.442695020e+00, v62;
	(erf) = vpow2.f32 v48;
	v26 =	vsub.f32 v26, v50  }
0x93: {  	v48 =	vmul.f32 $1.442695020e+00, v34;
	v49 =	vsub.f32 v40, v50;
	(erf) = vpow2.f32 v16  }
0x94: {  	(erf) = vpow2.f32 v0;
	v16 =	vmul.f32 $1.442695020e+00, v26;
	v26 =	vsub.f32 v52, v50  }
0x95: {  	v51 =	vsub.f32 v53, v50;
	v34 =	vmul.f32 $1.442695020e+00, v49;
	(erf) = vpow2.f32 v2  }
0x96: {  	v37 =	vsub.f32 v37, v55;
	v26 =	vmul.f32 $1.442695020e+00, v26;
	(erf) = vpow2.f32 v16  }
0x97: {  	v43 =	vsub.f32 v43, v55;
	v40 =	vmul.f32 $1.442695020e+00, v51;
	(erf) = vpow2.f32 v34  }
0x98: {  	v41 =	vmul.f32 $1.442695020e+00, v41;
	v52 =	vsub.f32 v47, v55;
	v3 =	vpop (erf);
	(erf) = vpow2.f32 v26  }
0x99: {  	v38 =	vsub.f32 v38, v56;
	v37 =	vmul.f32 $1.442695020e+00, v37;
	v34 =	vpop (erf);
	(erf) = vpow2.f32 v40  }
0x9a: {  	v54 =	vsub.f32 v27, v56;
	v44 =	vmul.f32 $1.442695020e+00, v52;
	v26 =	vpop (erf);
	(erf) = vpow2.f32 v48  }
0x9b: {  	v58 =	vsub.f32 v28, v56;
	v53 =	vmul.f32 $1.442695020e+00, v42;
	v27 =	vpop (erf);
	(erf) = vpow2.f32 v41  }
0x9c: {  	v59 =	vsub.f32 v30, v56;
	v38 =	vmul.f32 $1.442695020e+00, v38;
	v28 =	vpop (erf);
	(erf) = vpow2.f32 v44  }
0x9d: {  	v61 =	vsub.f32 v29, v57;
	v55 =	vmul.f32 $1.442695020e+00, v43;
	v30 =	vpop (erf);
	(erf) = vpow2.f32 v53  }
0x9e: {  	v63 =	vadd.f32 v26, v34;
	v0 =	vadd.f32 v28, v27;
	v29 =	vpop (erf);
	(erf) = vpow2.f32 v37  }
0x9f: {  	v36 =	vsub.f32 v36, v57;
	v60 =	vmul.f32 $1.442695020e+00, v54;
	(erf) = vpow2.f32 v55;
	v44 =	vpop (erf)  }
0xa0: {  	v62 =	vmul.f32 $1.442695020e+00, v58;
	v49 =	vadd.f32 v0, v63;
	(erf) = vpow2.f32 v38;
	v41 =	vpop (erf)  }
0xa1: {  	v21 =	vsub.f32 v21, v39;
	v36 =	vmul.f32 $1.442695020e+00, v36;
	(erf) = vpow2.f32 v60;
	v45 =	vpop (erf)  }
0xa2: {  	v56 =	vsub.f32 v24, v25;
	v2 =	vmul.f32 $1.442695020e+00, v59;
	(xrf2) =	vadd.scan.msk.f32 $0xffff, v49;
	(erf) = vpow2.f32 v62;
	v46 =	vpop (erf)  }
0xa3: {  	v42 =	vmul.f32 $1.442695020e+00, v61;
	v52 =	vsub.f32 v33, v57;
	v48 =	vsub.f32 v35, v57;
	v35 =	vpop (erf)  }
0xa4: {  	v50 =	vadd.f32 v41, v44;
	v51 =	vadd.f32 v46, v45;
	(erf) = vpow2.f32 v2;
	v33 =	vpop (erf)  }
0xa5: {  	v54 =	vsub.f32 v23, v25;
	v53 =	vmul.f32 $1.442695020e+00, v48;
	(erf) = vpow2.f32 v42;
	v23 =	vpop (erf)  }
0xa6: {  	v55 =	vmul.f32 $1.442695020e+00, v52;
	v37 =	vadd.f32 v51, v50;
	(erf) = vpow2.f32 v36;
	v24 =	vpop (erf)  }
0xa7: {  	s25 =	simm.s32 $0xF;
	v57 =	vadd.f32 v29, v30;
	v58 =	vadd.f32 v33, v35;
	(erf) = vpow2.f32 v53;
	v38 =	vpop (erf)  }
0xa8: {  	v32 =	vmov s25;
	v22 =	vsub.f32 v22, v39;
	(xrf2) =	vadd.scan.msk.f32 $0xffff, v37;
	(erf) = vpow2.f32 v55;
	v40 =	vpop (erf)  }
0xa9: {  	v20 =	vsub.f32 v20, v39;
	v48 =	vadd.f32 v58, v57;
	v36 =	vpop (erf)  }
0xaa: {  	v42 =	vmul.f32 $1.442695020e+00, v54;
	v59 =	vadd.f32 v24, v23;
	v60 =	vadd.f32 v40, v38;
	v37 =	vpop (erf)  }
0xab: {  	v19 =	vsub.f32 v19, v39;
	v61 =	vmul.f32 $1.442695020e+00, v21;
	v47 =	vmul.f32 $1.442695020e+00, v56;
	v21 =	vpop (erf)  }
0xac: {  	s24 =	simm.s32 $0x9;
	v20 =	vmul.f32 $1.442695020e+00, v20;
	(erf) = vpow2.f32 v42;
	(xrf2) =	vadd.scan.msk.f32 $0xffff, v48;
	v43 =	vadd.f32 v60, v59;
	v56, _, _ =	vpop (xrf2)  }
0xad: {  	v31 =	vmov s24;
	v32 =	vld.idx.msk [tilespmem:v32+s4+$0x0], $0xffff;
	v62 =	vmul.f32 $1.442695020e+00, v22;
	(erf) = vpow2.f32 v47;
	v39 =	vpop (erf)  }
0xae: {  	v19 =	vmul.f32 $1.442695020e+00, v19;
	v25 =	vand.u32 $0xFFFFFFF9, v31;
	(erf) = vpow2.f32 v61;
	v22 =	vpop (erf)  }
0xaf: {  	s26 =	simm.s32 $0xA;
	v63 =	vadd.f32 v37, v36;
	v0 =	vadd.f32 v39, v21;
	(erf) = vpow2.f32 v62;
	(xrf2) =	vadd.scan.msk.f32 $0xffff, v43;
	v42 =	vpop (erf)  }
0xb0: {  	v2 =	vmov s26;
	(erf) = vpow2.f32 v20;
	v20 =	vbroadcast v56, $0xF;
	v43 =	vpop (erf)  }
0xb1: {  	v31 =	vand.u32 $0xFFFFFFFA, v2;
	v48 =	vadd.f32 v0, v63;
	(erf) = vpow2.f32 v19;
	v47 =	vpop (erf)  }
0xb2: {  	v52 =	vbroadcast v31, $0x0;
	v31 =	vsub.f32 v32, v4;
	(erf) = vrcp.f32 v20;
	v19, _, _ =	vpop (xrf2)  }
0xb3: {  	v20 =	vadd.f32 v42, v22;
	(xrf2) =	vadd.scan.msk.f32 $0xffff, v48;
	v62 =	vadd.f32 v47, v43;
	v19 =	vbroadcast v19, $0xF  }
0xb4: {  	s29 =	simm.s32 $0xC;
	v1 =	vbroadcast v18, $0x0;
	v53 =	vbroadcast v25, $0x0  }
0xb5: {  	v58 =	vmov s29;
	v31 =	vmul.f32 v31, v31;
	v18 =	vpop (erf);
	v20 =	vadd.f32 v62, v20  }
0xb6: {  	v49 =	vand.u32 $0xFFFFFFFC, v58;
	v0 =	vsub.f32 v32, v7;
	v25, _, _ =	vpop (xrf2);
	(erf) = vrcp.f32 v19  }
0xb7: {  	s28 =	simm.s32 $0xB;
	v2 =	vsub.f32 v32, v10;
	v49 =	vbroadcast v49, $0x0;
	v61 =	vmul.f32 $1.442695020e+00, v17;
	v19 =	vpop (erf)  }
0xb8: {  	s30 =	simm.s32 $0xD;
	v57 =	vmov s28;
	v55 =	vmul.f32 v0, v0;
	v0 =	vmul.f32 v31, v5;
	v51 =	vpop (erf)  }
0xb9: {  	v59 =	vmov s30;
	v25 =	vbroadcast v25, $0xF;
	(xrf2) =	vadd.scan.msk.f32 $0xffff, v20;
	(erf) = vpow2.f32 v61;
	v20, _, _ =	vpop (xrf2)  }
0xba: {  	v60 =	vand.u32 $0xFFFFFFFB, v57;
	v56 =	vmul.f32 v2, v2;
	v63 =	vand.u32 $0xFFFFFFFD, v59;
	v54 =	vpop (erf)  }
0xbb: {  	v32 =	vsub.f32 v32, v14;
	v50 =	vbroadcast v63, $0x0;
	[tilespmem:$0x1FFB0] =	vst v0;
	(erf) = vrcp.f32 v25;
	v57 =	vpop (erf)  }
0xbc: {  	v48 =	vbroadcast v60, $0x0;
	v53 =	vld.idx.msk [tilespmem:v53+s4+$0x0], $0xffff;
	v61 =	vbroadcast v20, $0xF;
	v58 =	vpop (erf)  }
0xbd: {  	v32 =	vmul.f32 v32, v32;
	v20 =	vmul.f32 v55, v9;
	v59, _, _ =	vpop (xrf2)  }
0xbe: {  	v25 =	vadd.f32 v54, v51;
	(erf) = vrcp.f32 v61;
	v60 =	vadd.f32 v58, v57;
	v62 =	vpop (erf)  }
0xbf: {  	v1 =	vld.idx.msk [tilespmem:v1+s4+$0x0], $0xffff;
	v59 =	vbroadcast v59, $0xF;
	v63 =	vmul.f32 v62, v34;
	v31 =	vpop (erf)  }
0xc0: {  	v28 =	vmul.f32 v62, v28;
	v60 =	vadd.f32 v60, v25;
	v25 =	vmul.f32 v31, v44  }
0xc1: {  	v2 =	vsub.f32 v53, v7;
	v46 =	vmul.f32 v31, v46;
	v34 =	vmul.f32 v31, v41  }
0xc2: {  	v61 =	vadd.f32 v18, v3;
	v31 =	vmul.f32 v31, v45;
	v41 =	vmul.f32 v62, v26;
	v44 =	vpop (erf)  }
0xc3: {  	v45 =	vmul.f32 v62, v27;
	v26 =	vmul.f32 v56, v12;
	v0 =	vadd.f32 v44, v19  }
0xc4: {  	s18 =	simm.s32 $0x480;
	v62 =	vsub.f32 v1, v10;
	(xrf2) =	vadd.scan.msk.f32 $0xffff, v60;
	(erf) = vrcp.f32 v59;
	v60 =	vsub.f32 v1, v4;
	v55 =	vpop (erf)  }
0xc5: {  	[tilespmem:s18+$0xFFFFFE90] =	vst v41;
	v41 =	vmul.f32 v2, v2;
	v29 =	vmul.f32 v55, v29;
	v0 =	vadd.f32 v0, v61  }
0xc6: {  	v27, _, _ =	vpop (xrf2);
	v35 =	vmul.f32 v55, v35;
	v33 =	vmul.f32 v55, v33;
	v61 =	vsub.f32 v1, v7  }
0xc7: {  	v48 =	vld.idx.msk [tilespmem:v48+s4+$0x0], $0xffff;
	v1 =	vsub.f32 v1, v14;
	(xrf2) =	vadd.scan.msk.f32 $0xffff, v0;
	v0 =	vmul.f32 v55, v30;
	v30 =	vbroadcast v27, $0xF  }
0xc8: {  	v56 =	vsub.f32 v53, v10;
	[tilespmem:s18+$0xFFFFFE80] =	vst v63;
	v27 =	vmul.f32 v32, v15;
	v59 =	vmul.f32 v61, v61  }
0xc9: {  	[tilespmem:s18+$0xFFFFFEB0] =	vst v28;
	v55 =	vpop (erf);
	v32 =	vld.idx.msk [tilespmem:v52+s4+$0x0], $0xffff;
	v52 =	vmul.f32 v62, v62;
	v17 =	vmul.f32 v1, v1  }
0xca: {  	[tilespmem:s18+$0x130] =	vst v46;
	v1 =	vsub.f32 v53, v4;
	v23 =	vmul.f32 v55, v23;
	v24 =	vmul.f32 v55, v24  }
0xcb: {  	[tilespmem:s18+$0xFFFFFEA0] =	vst v45;
	v53 =	vsub.f32 v53, v14;
	v38 =	vmul.f32 v55, v38;
	(erf) = vrcp.f32 v30  }
0xcc: {  	v40 =	vmul.f32 v55, v40;
	v30 =	vmul.f32 v60, v60;
	[tilespmem:s18+$0xFFFFFF00] =	vst v0;
	v0 =	vsub.f32 v48, v14  }
0xcd: {  	[tilespmem:s18+$0x100] =	vst v25;
	v46 =	vmul.f32 v1, v1;
	v16 =	vmul.f32 v53, v53  }
0xce: {  	[tilespmem:s18+$0x110] =	vst v34;
	v17 =	vmul.f32 v17, v15;
	v55 =	vpop (erf);
	v61 =	vmul.f32 v0, v0  }
0xcf: {  	v63 =	vsub.f32 v48, v10;
	[tilespmem:s18+$0xFFFFFF10] =	vst v29;
	v25 =	vmul.f32 v16, v15;
	v36 =	vmul.f32 v55, v36  }
0xd0: {  	[tilespmem:s18+$0xFFFFFF20] =	vst v35;
	v60, _, _ =	vpop (xrf2);
	v37 =	vmul.f32 v55, v37;
	v2 =	vsub.f32 v32, v4;
	v21 =	vmul.f32 v55, v21  }
0xd1: {  	v49 =	vld.idx.msk [tilespmem:v49+s4+$0x0], $0xffff;
	[tilespmem:s18+$0xFFFFFF30] =	vst v33;
	v39 =	vmul.f32 v55, v39;
	v45 =	vsub.f32 v32, v7;
	v60 =	vbroadcast v60, $0xF  }
0xd2: {  	[tilespmem:s18+$0xFFFFFF80] =	vst v23;
	v55 =	vmul.f32 v56, v56;
	v29 =	vmul.f32 v2, v2;
	v2 =	vsub.f32 v48, v7  }
0xd3: {  	[tilespmem:s18+$0xFFFFFF90] =	vst v24;
	v56 =	vsub.f32 v32, v10;
	v45 =	vmul.f32 v45, v45;
	(erf) = vrcp.f32 v60;
	v1, _, _ =	vpop (xrf2)  }
0xd4: {  	[tilespmem:s18+$0xFFFFFFA0] =	vst v38;
	v60 =	vbroadcast v1, $0xF;
	v28 =	vpop (erf);
	v1 =	vsub.f32 v48, v4;
	v48 =	vmul.f32 v2, v2  }
0xd5: {  	[tilespmem:s18+$0xFFFFFFB0] =	vst v40;
	v32 =	vsub.f32 v32, v14;
	v22 =	vmul.f32 v28, v22;
	v42 =	vmul.f32 v28, v42  }
0xd6: {  	[tilespmem:s18+$0x0] =	vst v36;
	v43 =	vmul.f32 v28, v43;
	v28 =	vmul.f32 v28, v47  }
0xd7: {  	v23 =	vsub.f32 v49, v7;
	[tilespmem:s18+$0x10] =	vst v37;
	v47 =	vmul.f32 v56, v56;
	v56 =	vmul.f32 v32, v32  }
0xd8: {  	v50 =	vld.idx.msk [tilespmem:v50+s4+$0x0], $0xffff;
	v20 =	vsub.f32 v8, v20;
	[tilespmem:s18+$0x20] =	vst v21;
	(erf) = vrcp.f32 v60;
	v53 =	vmul.f32 v1, v1  }
0xd9: {  	v24 =	vsub.f32 v49, v10;
	[tilespmem:s18+$0x30] =	vst v39;
	v60 =	vmul.f32 v63, v63;
	v63 =	vmul.f32 v23, v23  }
0xda: {  	v1 =	vsub.f32 v49, v4;
	v37 =	vmul.f32 v48, v9;
	[tilespmem:s18+$0xA0] =	vst v43;
	v43 =	vmul.f32 v46, v5  }
0xdb: {  	v17 =	vsub.f32 v13, v17;
	[tilespmem:s18+$0x80] =	vst v22;
	v46 =	vmul.f32 v41, v9;
	v47 =	vmul.f32 v47, v12  }
0xdc: {  	v21 =	vsub.f32 v11, v26;
	[tilespmem:s18+$0x90] =	vst v42;
	v34 =	vmul.f32 v56, v15;
	v62 =	vmul.f32 v1, v1  }
0xdd: {  	v23 =	vsub.f32 v49, v14;
	[tilespmem:s18+$0xB0] =	vst v28;
	v36 =	vmul.f32 v53, v5;
	v38 =	vmul.f32 v60, v12;
	v2 =	vpop (erf)  }
0xde: {  	v16 =	vld [tilespmem:$0x1FFB0];
	[tilespmem:s18+$0x120] =	vst v31;
	v31 =	vsub.f32 v13, v25;
	v51 =	vmul.f32 v2, v51;
	v54 =	vmul.f32 v2, v54  }
0xdf: {  	v49 =	vmul.f32 v2, v57;
	v57 =	vmul.f32 v24, v24;
	v24 =	vsub.f32 v50, v4  }
0xe0: {  	v58 =	vmul.f32 v2, v58;
	v2 =	vmul.f32 v23, v23;
	v23 =	vsub.f32 v50, v7  }
0xe1: {  	v39 =	vmul.f32 v62, v5;
	v1 =	vmul.f32 v24, v24;
	v24 =	vsub.f32 v50, v10  }
0xe2: {  	v28 =	vsub.f32 v6, v43;
	v32 =	vmul.f32 v23, v23;
	v41 =	vmul.f32 v57, v12  }
0xe3: {  	s31 =	simm.s32 $0xE;
	v25 =	vsub.f32 v11, v47;
	v42 =	vmul.f32 v2, v15;
	v40 =	vpop (erf);
	v33 =	vmul.f32 v24, v24  }
0xe4: {  	v62 =	vmov s31;
	v24 =	vmul.f32 v61, v15;
	v3 =	vmul.f32 v40, v3  }
0xe5: {  	[tilespmem:s18+$0xFFFFFE00] =	vst v51;
	v0 =	vmul.f32 v40, v18;
	v18 =	vsub.f32 v50, v14;
	v50 =	vmul.f32 v40, v19  }
0xe6: {  	v23 =	vsub.f32 v6, v16;
	[tilespmem:s18+$0xFFFFFE10] =	vst v54;
	v44 =	vmul.f32 v40, v44;
	v19 =	vmul.f32 v30, v5  }
0xe7: {  	v16 =	vsub.f32 v13, v27;
	[tilespmem:s18+$0xFFFFFE20] =	vst v49;
	v30 =	vmul.f32 v52, v12;
	v52 =	vmul.f32 v55, v12  }
0xe8: {  	[tilespmem:s18+$0xFFFFFE30] =	vst v58;
	v55 =	vmul.f32 v29, v5;
	v40 =	vmul.f32 v63, v9;
	v63 =	vand.u32 $0xFFFFFFFE, v62  }
0xe9: {  	v35 =	vmul.f32 v18, v18;
	v18 =	vmul.f32 v59, v9;
	v19 =	vsub.f32 v6, v19;
	[tilespmem:s18+$0x180] =	vst v3  }
0xea: {  	v59 =	vmul.f32 v45, v9;
	[tilespmem:s18+$0x190] =	vst v0;
	v29 =	vsub.f32 v11, v52;
	v27 =	vsub.f32 v6, v55  }
0xeb: {  	[tilespmem:s18+$0x1A0] =	vst v50;
	v45 =	vbroadcast v63, $0x0;
	v22 =	vsub.f32 v8, v18;
	v18 =	vsub.f32 v11, v30  }
0xec: {  	s19 =	simm.s32 $0x10;
	[tilespmem:s18+$0x1B0] =	vst v44;
	v52 =	vmul.f32 v1, v5;
	v30 =	vsub.f32 v8, v46;
	v26 =	vsub.f32 v8, v59  }
.LBB2_3:
0xed: {  	p0 =	slt.u32 s19, $0xF8;
	v51 =	vsub.f32 v13, v34;
	v50 =	vsub.f32 v6, v36;
	v0 =	vmul.f32 v32, v9  }
0xee: {  	v49 =	vsub.f32 v8, v37;
	v48 =	vsub.f32 v11, v38;
	v1 =	vmul.f32 v33, v12  }
0xef: {  	v47 =	vsub.f32 v13, v24;
	v46 =	vsub.f32 v6, v39;
	v2 =	vmul.f32 v35, v15  }
0xf0: {  	v44 =	vsub.f32 v8, v40;
	v43 =	vsub.f32 v11, v41;
	v3 =	vmax.f32 v23, v20  }
0xf1: {  	v42 =	vsub.f32 v13, v42;
	v32 =	vmax.f32 v21, v16;
	v41 =	vsub.f32 v6, v52;
	v24 =	vld.idx.msk [tilespmem:v45+s4+$0x0], $0xffff  }
0xf2: {  	v40 =	vsub.f32 v8, v0;
	v39 =	vsub.f32 v11, v1;
	v0 =	vmax.f32 v3, v32  }
0xf3: {  	v1 =	vmax.f32 v19, v22;
	v3 =	vmax.f32 v18, v17;
	v35 =	vsub.f32 v13, v2  }
0xf4: {  	v2 =	vmax.f32 v28, v30;
	v1 =	vmax.f32 v1, v3;
	v3 =	vmax.f32 v29, v31  }
0xf5: {  	v32 =	vmax.f32 v27, v26;
	v33 =	vmax.f32 v25, v51;
	v34 =	vmax.f32 v50, v49  }
0xf6: {  	v36 =	vmax.f32 v48, v47;
	v37 =	vmax.f32 v46, v44;
	v38 =	vmax.f32 v43, v42  }
0xf7: {  	v45 =	vmax.f32 v41, v40;
	v52 =	vsub.f32 v24, v4;
	v53 =	vsub.f32 v24, v7  }
0xf8: {  	v54 =	vmax.f32 v39, v35;
	v55 =	vsub.f32 v24, v10;
	v24 =	vsub.f32 v24, v14;
	(xrf0) =	vmax.scan.msk.f32 $0xffff, v0  }
0xf9: {  	v0 =	vmax.f32 v2, v3;
	v2 =	vmul.f32 v52, v52;
	v3 =	vmul.f32 v53, v53;
	(xrf0) =	vmax.scan.msk.f32 $0xffff, v1  }
0xfa: {  	v24 =	vmul.f32 v24, v24;
	v1 =	vmax.f32 v32, v33;
	v32 =	vmul.f32 v55, v55;
	(xrf0) =	vmax.scan.msk.f32 $0xffff, v0  }
0xfb: {  	v0 =	vmax.f32 v34, v36;
	v2 =	vmul.f32 v2, v5;
	v3 =	vmul.f32 v3, v9;
	(xrf0) =	vmax.scan.msk.f32 $0xffff, v1  }
0xfc: {  	v24 =	vmul.f32 v24, v15;
	v1 =	vmax.f32 v37, v38;
	v32 =	vmul.f32 v32, v12;
	(xrf0) =	vmax.scan.msk.f32 $0xffff, v0  }
0xfd: {  	v33 =	vmax.f32 v45, v54;
	v2 =	vsub.f32 v6, v2;
	v3 =	vsub.f32 v8, v3;
	(xrf0) =	vmax.scan.msk.f32 $0xffff, v1  }
0xfe: {  	s20 =	sadd.s32 $0x1, s19;
	s21 =	sadd.s32 $0x7, s19;
	v53 =	vsub.f32 v13, v24;
	v1 =	vmov s19;
	v52 =	vsub.f32 v11, v32;
	(xrf0) =	vmax.scan.msk.f32 $0xffff, v33;
	v0, _, _ =	vpop (xrf0)  }
0xff: {  	v32 =	vmov s21;
	v1 =	vand.u32 $0xFFFFFFF8, v1;
	v33 =	vmov s20;
	v37, _, _ =	vpop (xrf0)  }
0x100: {  	s20 =	sadd.s32 $0x2, s19;
	v55 =	vmax.f32 v2, v3;
	v45 =	vmax.f32 v52, v53;
	v34 =	vbroadcast v0, $0xF;
	v0, _, _ =	vpop (xrf0)  }
0x101: {  	v24 =	vbroadcast v1, $0x0;
	v36 =	vmov s20;
	v1 =	vmax.f32 v55, v45;
	v38, _, _ =	vpop (xrf0)  }
0x102: {  	s20 =	sadd.s32 $0x3, s19;
	v45 =	vbroadcast v37, $0xF;
	v0 =	vbroadcast v0, $0xF;
	v23 =	vsub.f32 v23, v34;
	v54, _, _ =	vpop (xrf0);
	(xrf0) =	vmax.scan.msk.f32 $0xffff, v1  }
0x103: {  	v37 =	vmov s20;
	s20 =	sadd.s32 $0x4, s19;
	v1 =	vbroadcast v38, $0xF;
	v54 =	vbroadcast v54, $0xF;
	v55, _, _ =	vpop (xrf0)  }
0x104: {  	v38 =	vmov s20;
	v23 =	vmul.f32 $1.442695020e+00, v23;
	v55 =	vbroadcast v55, $0xF;
	v56, _, _ =	vpop (xrf0)  }
0x105: {  	v28 =	vsub.f32 v28, v0;
	v57 =	vsub.f32 v30, v0;
	v56 =	vbroadcast v56, $0xF  }
0x106: {  	v29 =	vsub.f32 v29, v0;
	v0 =	vsub.f32 v31, v0;
	(erf) = vpow2.f32 v23  }
0x107: {  	v27 =	vsub.f32 v27, v1;
	v23 =	vmul.f32 $1.442695020e+00, v28;
	v28 =	vmul.f32 $1.442695020e+00, v57  }
0x108: {  	v26 =	vsub.f32 v26, v1;
	v29 =	vmul.f32 $1.442695020e+00, v29;
	v0 =	vmul.f32 $1.442695020e+00, v0;
	v30, _, _ =	vpop (xrf0)  }
0x109: {  	v25 =	vsub.f32 v25, v1;
	v30 =	vbroadcast v30, $0xF;
	(erf) = vpow2.f32 v23  }
0x10a: {  	v1 =	vsub.f32 v51, v1;
	v23 =	vmul.f32 $1.442695020e+00, v27;
	(erf) = vpow2.f32 v28  }
0x10b: {  	v26 =	vmul.f32 $1.442695020e+00, v26;
	v2 =	vsub.f32 v2, v30;
	(erf) = vpow2.f32 v29  }
0x10c: {  	v25 =	vmul.f32 $1.442695020e+00, v25;
	v3 =	vsub.f32 v3, v30;
	(erf) = vpow2.f32 v0  }
0x10d: {  	v0 =	vmul.f32 $1.442695020e+00, v2;
	v2 =	vsub.f32 v52, v30;
	(erf) = vpow2.f32 v23  }
0x10e: {  	v27 =	vsub.f32 v53, v30;
	v3 =	vmul.f32 $1.442695020e+00, v3;
	(erf) = vpow2.f32 v26  }
0x10f: {  	v26 =	vsub.f32 v50, v54;
	v2 =	vmul.f32 $1.442695020e+00, v2;
	(erf) = vpow2.f32 v0;
	v23 =	vpop (erf)  }
0x110: {  	v27 =	vmul.f32 $1.442695020e+00, v27;
	v0 =	vsub.f32 v49, v54;
	(erf) = vpow2.f32 v3  }
0x111: {  	v1 =	vmul.f32 $1.442695020e+00, v1;
	v3 =	vsub.f32 v48, v54;
	(erf) = vpow2.f32 v2  }
0x112: {  	v47 =	vsub.f32 v47, v54;
	v2 =	vmul.f32 $1.442695020e+00, v26;
	v30 =	vpop (erf);
	(erf) = vpow2.f32 v27  }
0x113: {  	v46 =	vsub.f32 v46, v55;
	v0 =	vmul.f32 $1.442695020e+00, v0;
	v28 =	vpop (erf);
	(erf) = vpow2.f32 v25  }
0x114: {  	v44 =	vsub.f32 v44, v55;
	v3 =	vmul.f32 $1.442695020e+00, v3;
	v29 =	vpop (erf);
	(erf) = vpow2.f32 v1  }
0x115: {  	v31 =	vsub.f32 v43, v55;
	v1 =	vmul.f32 $1.442695020e+00, v47;
	v26 =	vpop (erf);
	(erf) = vpow2.f32 v2  }
0x116: {  	v42 =	vsub.f32 v42, v55;
	v2 =	vmul.f32 $1.442695020e+00, v46;
	v27 =	vpop (erf);
	(erf) = vpow2.f32 v0  }
0x117: {  	v41 =	vsub.f32 v41, v56;
	v0 =	vmul.f32 $1.442695020e+00, v44;
	v25 =	vpop (erf);
	(erf) = vpow2.f32 v3  }
0x118: {  	v3 =	vmul.f32 $1.442695020e+00, v31;
	v31 =	vsub.f32 v40, v56;
	(erf) = vpow2.f32 v1;
	v46 =	vpop (erf)  }
0x119: {  	v40 =	vadd.f32 v26, v29;
	v1 =	vadd.f32 v28, v30;
	(erf) = vpow2.f32 v2;
	v47 =	vpop (erf)  }
0x11a: {  	v2 =	vmul.f32 $1.442695020e+00, v42;
	v42 =	vsub.f32 v39, v56;
	(erf) = vpow2.f32 v0;
	v48 =	vpop (erf)  }
0x11b: {  	v0 =	vadd.f32 v40, v1;
	v1 =	vmul.f32 $1.442695020e+00, v41;
	(erf) = vpow2.f32 v3;
	v49 =	vpop (erf)  }
0x11c: {  	v3 =	vadd.f32 v47, v46;
	v43 =	vadd.f32 v49, v48;
	v39 =	vpop (erf);
	(erf) = vpow2.f32 v2  }
0x11d: {  	v2 =	vmul.f32 $1.442695020e+00, v31;
	v31 =	vsub.f32 v35, v56;
	(xrf2) =	vadd.scan.msk.f32 $0xffff, v0;
	v40 =	vpop (erf);
	(erf) = vpow2.f32 v1  }
0x11e: {  	v0 =	vmul.f32 $1.442695020e+00, v42;
	v1 =	vadd.f32 v43, v3;
	v3 =	vsub.f32 v20, v34;
	v41 =	vpop (erf)  }
0x11f: {  	v35 =	vsub.f32 v21, v34;
	v31 =	vmul.f32 $1.442695020e+00, v31;
	v42 =	vpop (erf);
	(erf) = vpow2.f32 v2  }
0x120: {  	v21 =	vadd.f32 v40, v39;
	v2 =	vadd.f32 v25, v27;
	v43 =	vpop (erf);
	(erf) = vpow2.f32 v0;
	(xrf2) =	vadd.scan.msk.f32 $0xffff, v1  }
0x121: {  	v0 =	vsub.f32 v19, v45;
	v1 =	vsub.f32 v22, v45;
	v3 =	vmul.f32 $1.442695020e+00, v3;
	v44 =	vpop (erf)  }
0x122: {  	v19 =	vmul.f32 $1.442695020e+00, v35;
	v2 =	vadd.f32 v21, v2;
	v20 =	vpop (erf);
	(erf) = vpow2.f32 v31  }
0x123: {  	v51 =	vadd.f32 v42, v41;
	v50 =	vadd.f32 v44, v43;
	v22 =	vpop (erf);
	(erf) = vpow2.f32 v3  }
0x124: {  	v0 =	vmul.f32 $1.442695020e+00, v0;
	v3 =	vsub.f32 v18, v45;
	(xrf2) =	vadd.scan.msk.f32 $0xffff, v2;
	v31 =	vpop (erf);
	(erf) = vpow2.f32 v19  }
0x125: {  	v52 =	vmul.f32 $1.442695020e+00, v1;
	v2 =	vsub.f32 v17, v45;
	v17 =	vadd.f32 v50, v51;
	v35 =	vpop (erf)  }
0x126: {  	s20 =	sadd.s32 $0x5, s19;
	v18 =	vadd.f32 v22, v20;
	v19 =	vadd.f32 v35, v31;
	(erf) = vpow2.f32 v0;
	v21 =	vpop (erf)  }
0x127: {  	v3 =	vmul.f32 $1.442695020e+00, v3;
	v0 =	vmov s20;
	(erf) = vpow2.f32 v52;
	v1, _, _ =	vpop (xrf2);
	(xrf2) =	vadd.scan.msk.f32 $0xffff, v17  }
0x128: {  	v50 =	vmul.f32 $1.442695020e+00, v2;
	v17 =	vand.u32 $0xFFFFFFF9, v33;
	v18 =	vadd.f32 v19, v18;
	v33 =	vpop (erf)  }
0x129: {  	v51 =	vsub.f32 v16, v34;
	v19 =	vand.u32 $0xFFFFFFFA, v36;
	v45 =	vld.idx.msk [tilespmem:v32+s4+$0x0], $0xffff;
	(erf) = vpow2.f32 v3;
	v32 =	vpop (erf)  }
0x12a: {  	v1 =	vbroadcast v1, $0xF;
	v3 =	vand.u32 $0xFFFFFFFB, v37;
	(erf) = vpow2.f32 v50;
	(xrf2) =	vadd.scan.msk.f32 $0xffff, v18;
	v2, _, _ =	vpop (xrf2)  }
0x12b: {  	v34 =	vmul.f32 $1.442695020e+00, v51;
	v18 =	vand.u32 $0xFFFFFFFC, v38;
	v2 =	vbroadcast v2, $0xF;
	v37 =	vpop (erf)  }
0x12c: {  	v50 =	vadd.f32 v33, v21;
	v38 =	vadd.f32 v37, v32;
	(erf) = vrcp.f32 v1;
	v16 =	vpop (erf)  }
0x12d: {  	v0 =	vand.u32 $0xFFFFFFFD, v0;
	v1 =	vbroadcast v17, $0x0;
	(erf) = vrcp.f32 v2;
	v17 =	vpop (erf)  }
0x12e: {  	v2 =	vbroadcast v19, $0x0;
	v19 =	vadd.f32 v38, v50;
	v36, _, _ =	vpop (xrf2);
	(erf) = vpow2.f32 v34  }
0x12f: {  	v3 =	vbroadcast v3, $0x0;
	v51 =	vbroadcast v18, $0x0;
	v18 =	vsub.f32 v45, v4;
	v34 =	vpop (erf)  }
0x130: {  	v50 =	vbroadcast v0, $0x0;
	v0 =	vsub.f32 v45, v7;
	v52 =	vbroadcast v36, $0xF;
	v36 =	vpop (erf);
	(xrf2) =	vadd.scan.msk.f32 $0xffff, v19  }
0x131: {  	v55 =	vsub.f32 v45, v14;
	v18 =	vmul.f32 v18, v18;
	v19 =	vsub.f32 v45, v10;
	v53, _, _ =	vpop (xrf2)  }
0x132: {  	v0 =	vmul.f32 v0, v0;
	v38 =	vpop (erf);
	(erf) = vrcp.f32 v52  }
0x133: {  	v54 =	vmul.f32 v55, v55;
	v52 =	vmul.f32 v19, v19;
	v45 =	vpop (erf)  }
0x134: {  	v19 =	vadd.f32 v36, v34;
	v58 =	vbroadcast v53, $0xF;
	v55 =	vadd.f32 v45, v38;
	v56, _, _ =	vpop (xrf2)  }
0x135: {  	v18 =	vmul.f32 v18, v5;
	v56 =	vbroadcast v56, $0xF;
	v57 =	vpop (erf)  }
0x136: {  	v19 =	vadd.f32 v55, v19;
	v55 =	vmul.f32 v57, v30;
	(erf) = vrcp.f32 v58;
	v53 =	vpop (erf)  }
0x137: {  	v58 =	vld.idx.msk [tilespmem:v24+s4+$0x0], $0xffff;
	v59 =	vmul.f32 v53, v46;
	v24 =	vmul.f32 v53, v49;
	v49 =	vadd.f32 v16, v23;
	v30 =	vpop (erf)  }
0x138: {  	s18 =	sadd.s32 $0x400, s18;
	v47 =	vmul.f32 v53, v47;
	v46 =	vmul.f32 v53, v48;
	v53 =	vadd.f32 v30, v17;
	(xrf2) =	vadd.scan.msk.f32 $0xffff, v19  }
0x139: {  	v19 =	vmul.f32 v0, v9;
	v0 =	vmul.f32 v57, v28;
	[tilespmem:s18+$0x130] =	vst v24  }
0x13a: {  	v28 =	vmul.f32 v57, v29;
	[tilespmem:s18+$0xFFFFFE80] =	vst v55;
	v29 =	vadd.f32 v53, v49;
	(erf) = vrcp.f32 v56;
	v48, _, _ =	vpop (xrf2)  }
0x13b: {  	v24 =	vmul.f32 v52, v12;
	[tilespmem:s18+$0xFFFFFE90] =	vst v0;
	v0 =	vmul.f32 v57, v26;
	v49 =	vpop (erf)  }
0x13c: {  	v1 =	vld.idx.msk [tilespmem:v1+s4+$0x0], $0xffff;
	[tilespmem:s18+$0xFFFFFEA0] =	vst v28;
	v27 =	vmul.f32 v49, v27;
	v28 =	vbroadcast v48, $0xF;
	(xrf2) =	vadd.scan.msk.f32 $0xffff, v29  }
0x13d: {  	v26 =	vmul.f32 v54, v15;
	v29 =	vsub.f32 v58, v4;
	[tilespmem:s18+$0xFFFFFEB0] =	vst v0;
	v0 =	vmul.f32 v49, v25  }
0x13e: {  	v25 =	vsub.f32 v58, v7;
	v2 =	vld.idx.msk [tilespmem:v2+s4+$0x0], $0xffff;
	[tilespmem:s18+$0xFFFFFF00] =	vst v27;
	v27 =	vmul.f32 v49, v39;
	(erf) = vrcp.f32 v28  }
0x13f: {  	v28 =	vmul.f32 v29, v29;
	v29 =	vsub.f32 v58, v10;
	[tilespmem:s18+$0xFFFFFF10] =	vst v0;
	v0 =	vmul.f32 v49, v40;
	v39 =	vpop (erf)  }
0x140: {  	v25 =	vmul.f32 v25, v25;
	v40 =	vsub.f32 v58, v14;
	[tilespmem:s18+$0xFFFFFF20] =	vst v27;
	v27 =	vmul.f32 v39, v41  }
0x141: {  	v29 =	vmul.f32 v29, v29;
	[tilespmem:s18+$0xFFFFFF30] =	vst v0;
	v0 =	vmul.f32 v39, v42  }
0x142: {  	v40 =	vmul.f32 v40, v40;
	v41 =	vsub.f32 v1, v4;
	[tilespmem:s18+$0xFFFFFF80] =	vst v27;
	v27 =	vmul.f32 v39, v43;
	v42, _, _ =	vpop (xrf2)  }
0x143: {  	v43 =	vsub.f32 v1, v7;
	v3 =	vld.idx.msk [tilespmem:v3+s4+$0x0], $0xffff;
	v42 =	vbroadcast v42, $0xF;
	[tilespmem:s18+$0xFFFFFF90] =	vst v0;
	v0 =	vmul.f32 v39, v44;
	v39 =	vpop (erf)  }
0x144: {  	v41 =	vmul.f32 v41, v41;
	v44 =	vsub.f32 v1, v10;
	[tilespmem:s18+$0xFFFFFFA0] =	vst v27;
	v20 =	vmul.f32 v39, v20  }
0x145: {  	v1 =	vsub.f32 v1, v14;
	[tilespmem:s18+$0xFFFFFFB0] =	vst v0;
	v0 =	vmul.f32 v39, v22;
	(erf) = vrcp.f32 v42  }
0x146: {  	v27 =	vsub.f32 v2, v4;
	v22 =	vmul.f32 v43, v43;
	[tilespmem:s18+$0x0] =	vst v20;
	v20 =	vmul.f32 v39, v31;
	v31, _, _ =	vpop (xrf2)  }
0x147: {  	v42 =	vsub.f32 v2, v7;
	v43 =	vld.idx.msk [tilespmem:v51+s4+$0x0], $0xffff;
	[tilespmem:s18+$0x10] =	vst v0;
	v0 =	vmul.f32 v39, v35;
	v31 =	vbroadcast v31, $0xF;
	v35 =	vpop (erf)  }
0x148: {  	v39 =	vmul.f32 v44, v44;
	v44 =	vsub.f32 v2, v10;
	[tilespmem:s18+$0x20] =	vst v20;
	v20 =	vmul.f32 v35, v21  }
0x149: {  	v2 =	vsub.f32 v2, v14;
	v21 =	vld.idx.msk [tilespmem:v50+s4+$0x0], $0xffff;
	[tilespmem:s18+$0x30] =	vst v0;
	v0 =	vmul.f32 v35, v33;
	(erf) = vrcp.f32 v31  }
0x14a: {  	v1 =	vmul.f32 v1, v1;
	v31 =	vsub.f32 v3, v4;
	[tilespmem:s18+$0x80] =	vst v20;
	v20 =	vmul.f32 v35, v32  }
0x14b: {  	v27 =	vmul.f32 v27, v27;
	v32 =	vsub.f32 v3, v7;
	[tilespmem:s18+$0x90] =	vst v0;
	v0 =	vmul.f32 v35, v37  }
0x14c: {  	v37 =	vmul.f32 v42, v42;
	v42 =	vmul.f32 v44, v44;
	v35 =	vsub.f32 v3, v10;
	[tilespmem:s18+$0xA0] =	vst v20  }
0x14d: {  	v2 =	vmul.f32 v2, v2;
	v3 =	vsub.f32 v3, v14;
	v20 =	vmul.f32 v31, v31;
	[tilespmem:s18+$0xB0] =	vst v0  }
0x14e: {  	v0 =	vmul.f32 v32, v32;
	v31 =	vmul.f32 v35, v35;
	v32 =	vsub.f32 v43, v4;
	[tilespmem:s18+$0x100] =	vst v59;
	v33 =	vpop (erf)  }
0x14f: {  	v3 =	vmul.f32 v3, v3;
	v35 =	vsub.f32 v43, v7;
	v34 =	vmul.f32 v33, v34;
	[tilespmem:s18+$0x110] =	vst v47  }
0x150: {  	v44 =	vmul.f32 v32, v32;
	v32 =	vsub.f32 v43, v10;
	v47 =	vmul.f32 v33, v36;
	[tilespmem:s18+$0x120] =	vst v46  }
0x151: {  	v46 =	vmul.f32 v35, v35;
	v35 =	vsub.f32 v43, v14;
	[tilespmem:s18+$0xFFFFFE00] =	vst v34;
	v34 =	vmul.f32 v33, v38  }
0x152: {  	v43 =	vmul.f32 v32, v32;
	v32 =	vsub.f32 v21, v4;
	v33 =	vmul.f32 v33, v45;
	[tilespmem:s18+$0xFFFFFE10] =	vst v47;
	v36 =	vpop (erf)  }
0x153: {  	v45 =	vmul.f32 v35, v35;
	v35 =	vsub.f32 v21, v7;
	[tilespmem:s18+$0xFFFFFE20] =	vst v34;
	v23 =	vmul.f32 v36, v23  }
0x154: {  	v47 =	vmul.f32 v32, v32;
	v34 =	vsub.f32 v21, v10;
	v16 =	vmul.f32 v36, v16;
	[tilespmem:s18+$0xFFFFFE30] =	vst v33  }
0x155: {  	v21 =	vsub.f32 v21, v14;
	v17 =	vmul.f32 v36, v17;
	v32 =	vmul.f32 v35, v35;
	[tilespmem:s18+$0x180] =	vst v23  }
0x156: {  	v33 =	vmul.f32 v34, v34;
	[tilespmem:s18+$0x190] =	vst v16;
	v16 =	vmul.f32 v36, v30  }
0x157: {  	v28 =	vmul.f32 v28, v5;
	v35 =	vmul.f32 v21, v21;
	[tilespmem:s18+$0x1A0] =	vst v17  }
0x158: {  	v17 =	vmul.f32 v25, v9;
	v25 =	vmul.f32 v29, v12;
	[tilespmem:s18+$0x1B0] =	vst v16  }
0x159: {  	v30 =	vmul.f32 v41, v5;
	v29 =	vmul.f32 v40, v15  }
0x15a: {  	v48 =	vmul.f32 v22, v9;
	v49 =	vmul.f32 v39, v12  }
0x15b: {  	v1 =	vmul.f32 v1, v15;
	v27 =	vmul.f32 v27, v5  }
0x15c: {  	v50 =	vmul.f32 v37, v9;
	v51 =	vmul.f32 v42, v12;
	v23 =	vsub.f32 v6, v18  }
0x15d: {  	v34 =	vmul.f32 v2, v15;
	v36 =	vmul.f32 v20, v5;
	v20 =	vsub.f32 v8, v19  }
0x15e: {  	v37 =	vmul.f32 v0, v9;
	v38 =	vmul.f32 v31, v12;
	v21 =	vsub.f32 v11, v24  }
0x15f: {  	v39 =	vmul.f32 v44, v5;
	v24 =	vmul.f32 v3, v15;
	v16 =	vsub.f32 v13, v26  }
0x160: {  	v19 =	vsub.f32 v6, v28;
	v41 =	vmul.f32 v43, v12;
	v40 =	vmul.f32 v46, v9  }
.Ltmp0:
0x161: {  	s20 =	sadd.s32 $0x6, s19;
	v42 =	vmul.f32 v45, v15;
	v22 =	vsub.f32 v8, v17;
	v18 =	vsub.f32 v11, v25;
	(pc) =	sbr.rel @p0 .LBB2_3-.Ltmp0, $4  }
0x162: {  	v0 =	vmov s20;
	v28 =	vsub.f32 v6, v30;
	v17 =	vsub.f32 v13, v29  }
0x163: {  	v0 =	vand.u32 $0xFFFFFFFE, v0;
	v30 =	vsub.f32 v8, v48;
	v29 =	vsub.f32 v11, v49  }
0x164: {  	v27 =	vsub.f32 v6, v27;
	v31 =	vsub.f32 v13, v1;
	v45 =	vbroadcast v0, $0x0  }
0x165: {  	s19 =	sadd.s32 $0x8, s19;
	v52 =	vmul.f32 v47, v5;
	v26 =	vsub.f32 v8, v50;
	v25 =	vsub.f32 v11, v51  }
0x166: {  	v0 =	vsub.f32 v13, v34;
	v1 =	vsub.f32 v6, v36  }
0x167: {  	v2 =	vmul.f32 v32, v9;
	v3 =	vsub.f32 v8, v37;
	v37 =	vsub.f32 v11, v38  }
0x168: {  	v60 =	vmul.f32 v33, v12;
	v38 =	vsub.f32 v13, v24;
	v39 =	vsub.f32 v6, v39  }
0x169: {  	v61 =	vmul.f32 v35, v15;
	v40 =	vsub.f32 v8, v40;
	v41 =	vsub.f32 v11, v41  }
0x16a: {  	v62 =	vmax.f32 v23, v20;
	v42 =	vsub.f32 v13, v42;
	v43 =	vmax.f32 v21, v16  }
0x16b: {  	v44 =	vld.idx.msk [tilespmem:v45+s4+$0x0], $0xffff;
	v55 =	vmax.f32 v19, v22;
	v56 =	vmax.f32 v18, v17;
	v57 =	vmax.f32 v28, v30  }
0x16c: {  	v58 =	vmax.f32 v29, v31;
	v36 =	vsub.f32 v6, v52;
	v63 =	vmax.f32 v62, v43  }
0x16d: {  	v32 =	vmax.f32 v55, v56;
	v59 =	vmax.f32 v27, v26;
	v24 =	vsub.f32 v8, v2  }
0x16e: {  	v34 =	vsub.f32 v11, v60;
	v33 =	vsub.f32 v13, v61;
	v46 =	vmax.f32 v25, v0  }
0x16f: {  	v47 =	vmax.f32 v1, v3;
	v48 =	vmax.f32 v37, v38;
	v49 =	vmax.f32 v39, v40;
	(xrf0) =	vmax.scan.msk.f32 $0xffff, v63  }
0x170: {  	v50 =	vmax.f32 v41, v42;
	v60 =	vsub.f32 v44, v4;
	v53 =	vsub.f32 v44, v7  }
0x171: {  	v61 =	vmax.f32 v57, v58;
	(xrf0) =	vmax.scan.msk.f32 $0xffff, v32;
	v55 =	vsub.f32 v44, v10;
	v44 =	vsub.f32 v44, v14  }
0x172: {  	v52 =	vmax.f32 v59, v46;
	(xrf0) =	vmax.scan.msk.f32 $0xffff, v61;
	v62 =	vmul.f32 v60, v60;
	v63 =	vmul.f32 v53, v53  }
0x173: {  	v56 =	vmax.f32 v49, v50;
	v53 =	vmul.f32 v55, v55;
	v44 =	vmul.f32 v44, v44  }
0x174: {  	v51 =	vmax.f32 v36, v24;
	v35 =	vmul.f32 v62, v5;
	v43 =	vmul.f32 v63, v9  }
0x175: {  	(xrf0) =	vmax.scan.msk.f32 $0xffff, v52;
	v55 =	vmax.f32 v47, v48;
	v58, _, _ =	vpop (xrf0);
	v45 =	vmul.f32 v53, v12;
	v44 =	vmul.f32 v44, v15  }
0x176: {  	(xrf0) =	vmax.scan.msk.f32 $0xffff, v55;
	v32 =	vbroadcast v58, $0xF;
	v46 =	vsub.f32 v6, v35;
	v43 =	vsub.f32 v8, v43  }
0x177: {  	v54 =	vmax.f32 v34, v33;
	(xrf0) =	vmax.scan.msk.f32 $0xffff, v56;
	v59, _, _ =	vpop (xrf0);
	v45 =	vsub.f32 v11, v45;
	v44 =	vsub.f32 v13, v44  }
0x178: {  	v57 =	vmax.f32 v51, v54;
	v62, _, _ =	vpop (xrf0);
	v52 =	vsub.f32 v23, v32  }
0x179: {  	(xrf0) =	vmax.scan.msk.f32 $0xffff, v57;
	v2 =	vbroadcast v62, $0xF;
	v60 =	vmax.f32 v46, v43;
	v61 =	vmax.f32 v45, v44  }
0x17a: {  	v47 =	vmax.f32 v60, v61  }
0x17b: {  	v35 =	vbroadcast v59, $0xF;
	v63, _, _ =	vpop (xrf0);
	v23 =	vmul.f32 $1.442695020e+00, v52;
	v57 =	vsub.f32 v28, v2;
	(xrf0) =	vmax.scan.msk.f32 $0xffff, v47  }
0x17c: {  	v54 =	vbroadcast v63, $0xF;
	v53, _, _ =	vpop (xrf0);
	v58 =	vsub.f32 v30, v2;
	v59 =	vsub.f32 v29, v2  }
0x17d: {  	v2 =	vsub.f32 v31, v2;
	v48 =	vbroadcast v53, $0xF;
	v55, _, _ =	vpop (xrf0);
	(erf) = vpow2.f32 v23  }
0x17e: {  	v62 =	vsub.f32 v27, v54;
	v49 =	vbroadcast v55, $0xF;
	v60 =	vmul.f32 $1.442695020e+00, v57  }
0x17f: {  	v63 =	vsub.f32 v26, v54;
	v56, _, _ =	vpop (xrf0);
	v61 =	vmul.f32 $1.442695020e+00, v58;
	v29 =	vmul.f32 $1.442695020e+00, v59  }
0x180: {  	v2 =	vmul.f32 $1.442695020e+00, v2;
	v50 =	vbroadcast v56, $0xF  }
0x181: {  	v52 =	vsub.f32 v25, v54;
	v53 =	vmul.f32 $1.442695020e+00, v62;
	v26 =	vmul.f32 $1.442695020e+00, v63;
	v51, _, _ =	vpop (xrf0)  }
0x182: {  	(erf) = vpow2.f32 v60;
	v30 =	vbroadcast v51, $0xF  }
0x183: {  	v0 =	vsub.f32 v0, v54;
	v25 =	vmul.f32 $1.442695020e+00, v52;
	(erf) = vpow2.f32 v61  }
0x184: {  	v1 =	vsub.f32 v1, v48;
	(erf) = vpow2.f32 v29;
	v54 =	vsub.f32 v46, v30  }
0x185: {  	v0 =	vmul.f32 $1.442695020e+00, v0;
	(erf) = vpow2.f32 v2;
	v55 =	vsub.f32 v43, v30  }
0x186: {  	(erf) = vpow2.f32 v53;
	v57 =	vsub.f32 v45, v30;
	v56 =	vmul.f32 $1.442695020e+00, v54  }
0x187: {  	(erf) = vpow2.f32 v26;
	v59 =	vsub.f32 v44, v30;
	v58 =	vmul.f32 $1.442695020e+00, v55  }
0x188: {  	v62 =	vsub.f32 v37, v48;
	v60 =	vmul.f32 $1.442695020e+00, v57;
	(erf) = vpow2.f32 v56  }
0x189: {  	v61 =	vsub.f32 v3, v48;
	v3 =	vmul.f32 $1.442695020e+00, v59;
	(erf) = vpow2.f32 v58  }
0x18a: {  	v63 =	vsub.f32 v38, v48;
	v1 =	vmul.f32 $1.442695020e+00, v1;
	v23 =	vpop (erf);
	(erf) = vpow2.f32 v60  }
0x18b: {  	v52 =	vsub.f32 v24, v50;
	v2 =	vmul.f32 $1.442695020e+00, v61;
	v29 =	vpop (erf);
	(erf) = vpow2.f32 v3  }
0x18c: {  	v43 =	vmul.f32 $1.442695020e+00, v62;
	v44 =	vsub.f32 v40, v49;
	v27 =	vpop (erf);
	(erf) = vpow2.f32 v25  }
0x18d: {  	v45 =	vmul.f32 $1.442695020e+00, v63;
	v30 =	vpop (erf);
	v3 =	vsub.f32 v39, v49;
	(erf) = vpow2.f32 v0  }
0x18e: {  	v46 =	vsub.f32 v41, v49;
	v53 =	vadd.f32 v27, v29;
	v28 =	vpop (erf);
	(erf) = vpow2.f32 v1  }
0x18f: {  	v31 =	vpop (erf);
	v54 =	vadd.f32 v28, v30;
	v47 =	vmul.f32 $1.442695020e+00, v3;
	(erf) = vpow2.f32 v2  }
0x190: {  	v3 =	vsub.f32 v42, v49;
	v49 =	vsub.f32 v36, v50;
	v36 =	vpop (erf);
	(erf) = vpow2.f32 v43  }
0x191: {  	v33 =	vsub.f32 v33, v50;
	v48 =	vmul.f32 $1.442695020e+00, v44;
	(erf) = vpow2.f32 v45;
	v24 =	vpop (erf)  }
0x192: {  	v51 =	vmul.f32 $1.442695020e+00, v46;
	v0 =	vadd.f32 v54, v53;
	(erf) = vpow2.f32 v47;
	v25 =	vpop (erf)  }
0x193: {  	v61 =	vsub.f32 v20, v32;
	v55 =	vmul.f32 $1.442695020e+00, v3;
	(erf) = vpow2.f32 v48;
	v26 =	vpop (erf)  }
0x194: {  	v3 =	vsub.f32 v34, v50;
	v56 =	vmul.f32 $1.442695020e+00, v49;
	(erf) = vpow2.f32 v51;
	v34 =	vpop (erf)  }
0x195: {  	v57 =	vadd.f32 v25, v24;
	v58 =	vadd.f32 v34, v26;
	v40 =	vpop (erf);
	(erf) = vpow2.f32 v55  }
0x196: {  	v59 =	vmul.f32 $1.442695020e+00, v52;
	v63 =	vadd.f32 v36, v31;
	(xrf2) =	vadd.scan.msk.f32 $0xffff, v0;
	v0 =	vpop (erf);
	(erf) = vpow2.f32 v56  }
0x197: {  	v60 =	vmul.f32 $1.442695020e+00, v3;
	v3 =	vadd.f32 v58, v57;
	v37 =	vpop (erf);
	v44 =	vadd.f32 v0, v40  }
0x198: {  	v33 =	vmul.f32 $1.442695020e+00, v33;
	v62 =	vsub.f32 v21, v32;
	(erf) = vpow2.f32 v59;
	v38 =	vpop (erf)  }
0x199: {  	v45 =	vsub.f32 v19, v35;
	(erf) = vpow2.f32 v60;
	v41 =	vpop (erf);
	(xrf2) =	vadd.scan.msk.f32 $0xffff, v3;
	v1 =	vadd.f32 v44, v63  }
0x19a: {  	v46 =	vmul.f32 $1.442695020e+00, v61;
	v21 =	vmul.f32 $1.442695020e+00, v62;
	v3 =	vsub.f32 v22, v35;
	v20 =	vpop (erf)  }
0x19b: {  	v49 =	vsub.f32 v18, v35;
	v2 =	vmul.f32 $1.442695020e+00, v45;
	(erf) = vpow2.f32 v33;
	v22 =	vpop (erf)  }
0x19c: {  	v47 =	vadd.f32 v38, v37;
	v48 =	vadd.f32 v20, v41;
	v3 =	vmul.f32 $1.442695020e+00, v3;
	v42 =	vpop (erf)  }
0x19d: {  	v17 =	vsub.f32 v17, v35;
	(erf) = vpow2.f32 v46;
	(xrf2) =	vadd.scan.msk.f32 $0xffff, v1;
	v1 =	vpop (erf)  }
0x19e: {  	v18 =	vmul.f32 $1.442695020e+00, v49;
	(erf) = vpow2.f32 v21;
	v50 =	vadd.f32 v48, v47;
	v21 =	vpop (erf)  }
0x19f: {  	v17 =	vmul.f32 $1.442695020e+00, v17;
	(erf) = vpow2.f32 v2;
	v2 =	vpop (erf)  }
0x1a0: {  	(erf) = vpow2.f32 v3;
	v3, _, _ =	vpop (xrf2);
	(xrf2) =	vadd.scan.msk.f32 $0xffff, v50  }
0x1a1: {  	v33 =	vpop (erf)  }
0x1a2: {  	(erf) = vpow2.f32 v18;
	v3 =	vbroadcast v3, $0xF;
	v18 =	vpop (erf)  }
0x1a3: {  	v16 =	vsub.f32 v16, v32;
	(erf) = vpow2.f32 v17;
	v17, _, _ =	vpop (xrf2)  }
0x1a4: {  	v51 =	vadd.f32 v42, v22;
	v52 =	vadd.f32 v21, v1;
	v17 =	vbroadcast v17, $0xF  }
0x1a5: {  	v16 =	vmul.f32 $1.442695020e+00, v16;
	v19 =	vpop (erf)  }
0x1a6: {  	v53 =	vadd.f32 v52, v51;
	(erf) = vrcp.f32 v3;
	v3 =	vpop (erf)  }
0x1a7: {  	v54 =	vadd.f32 v33, v2;
	v55 =	vadd.f32 v19, v18;
	v56, _, _ =	vpop (xrf2);
	(erf) = vrcp.f32 v17  }
0x1a8: {  	v17 =	vpop (erf);
	(erf) = vpow2.f32 v16  }
0x1a9: {  	(xrf2) =	vadd.scan.msk.f32 $0xffff, v53;
	v32 =	vadd.f32 v55, v54;
	v35 =	vbroadcast v56, $0xF;
	v16 =	vpop (erf)  }
0x1aa: {  	v57, _, _ =	vpop (xrf2)  }
0x1ab: {  	(xrf2) =	vadd.scan.msk.f32 $0xffff, v32;
	v39 =	vpop (erf)  }
0x1ac: {  	v32 =	vbroadcast v57, $0xF;
	v43 =	vpop (erf)  }
0x1ad: {  	(erf) = vrcp.f32 v35;
	v35 =	vpop (erf)  }
0x1ae: {  	v58 =	vadd.f32 v39, v16;
	v59 =	vadd.f32 v35, v43  }
0x1af: {  	v61 =	vpop (erf)  }
0x1b0: {  	(erf) = vrcp.f32 v32;
	v44 =	vadd.f32 v59, v58;
	v32 =	vpop (erf)  }
0x1b1: {  	v29 =	vmul.f32 v61, v29;
	v46 =	vpop (erf)  }
0x1b2: {  	s18 =	sadd.s32 $0x400, s18;
	v63 =	vadd.f32 v3, v23;
	v27 =	vmul.f32 v61, v27;
	(xrf2) =	vadd.scan.msk.f32 $0xffff, v44;
	v52 =	vadd.f32 v46, v17  }
0x1b3: {  	v60, _, _ =	vpop (xrf2);
	v53 =	vmul.f32 v61, v30;
	[tilespmem:s18+$0xFFFFFE80] =	vst v29  }
0x1b4: {  	v62 =	vbroadcast v60, $0xF;
	v56 =	vmul.f32 v61, v28;
	[tilespmem:s18+$0xFFFFFE90] =	vst v27;
	v54 =	vadd.f32 v52, v63  }
0x1b5: {  	v34 =	vmul.f32 v32, v34;
	[tilespmem:s18+$0xFFFFFEA0] =	vst v53;
	v55, _, _ =	vpop (xrf2)  }
0x1b6: {  	[tilespmem:s18+$0xFFFFFEB0] =	vst v56;
	v53 =	vmul.f32 v32, v25;
	(erf) = vrcp.f32 v62;
	v57 =	vpop (erf);
	(xrf2) =	vadd.scan.msk.f32 $0xffff, v54  }
0x1b7: {  	[tilespmem:s18+$0x130] =	vst v34;
	v58 =	vmul.f32 v57, v31  }
0x1b8: {  	v59 =	vbroadcast v55, $0xF;
	[tilespmem:s18+$0x110] =	vst v53;
	v60 =	vmul.f32 v57, v36  }
0x1b9: {  	v61 =	vmul.f32 v57, v40;
	[tilespmem:s18+$0xFFFFFF00] =	vst v58  }
0x1ba: {  	v0 =	vmul.f32 v57, v0;
	(erf) = vrcp.f32 v59;
	[tilespmem:s18+$0xFFFFFF10] =	vst v60  }
0x1bb: {  	v52 =	vmul.f32 v32, v24;
	v62 =	vpop (erf);
	[tilespmem:s18+$0xFFFFFF20] =	vst v61  }
0x1bc: {  	[tilespmem:s18+$0xFFFFFF30] =	vst v0;
	v63 =	vmul.f32 v62, v37;
	v37, _, _ =	vpop (xrf2)  }
0x1bd: {  	v34 =	vmul.f32 v62, v38;
	[tilespmem:s18+$0x100] =	vst v52;
	v29 =	vbroadcast v37, $0xF  }
0x1be: {  	v36 =	vmul.f32 v62, v41;
	[tilespmem:s18+$0xFFFFFF80] =	vst v63  }
0x1bf: {  	v38 =	vmul.f32 v62, v20;
	[tilespmem:s18+$0xFFFFFF90] =	vst v34;
	v40 =	vpop (erf);
	(erf) = vrcp.f32 v29  }
0x1c0: {  	v54 =	vmul.f32 v32, v26;
	[tilespmem:s18+$0xFFFFFFA0] =	vst v36;
	v41 =	vmul.f32 v40, v42;
	v42, _, _ =	vpop (xrf2)  }
0x1c1: {  	[tilespmem:s18+$0xFFFFFFB0] =	vst v38;
	v22 =	vmul.f32 v40, v22;
	v45 =	vbroadcast v42, $0xF  }
0x1c2: {  	[tilespmem:s18+$0x120] =	vst v54  }
0x1c3: {  	v1 =	vmul.f32 v40, v1;
	[tilespmem:s18+$0x0] =	vst v22;
	v47 =	vpop (erf);
	(erf) = vrcp.f32 v45  }
0x1c4: {  	v44 =	vmul.f32 v40, v21;
	[tilespmem:s18+$0x10] =	vst v41  }
0x1c5: {  	[tilespmem:s18+$0x20] =	vst v1;
	v48 =	vmul.f32 v47, v2  }
0x1c6: {  	[tilespmem:s18+$0x30] =	vst v44;
	v49 =	vmul.f32 v47, v33  }
0x1c7: {  	v50 =	vmul.f32 v47, v18;
	[tilespmem:s18+$0x80] =	vst v48  }
0x1c8: {  	v51 =	vmul.f32 v47, v19;
	[tilespmem:s18+$0x90] =	vst v49;
	v55 =	vpop (erf)  }
0x1c9: {  	[tilespmem:s18+$0xA0] =	vst v50;
	v16 =	vmul.f32 v55, v16  }
0x1ca: {  	[tilespmem:s18+$0xB0] =	vst v51;
	v56 =	vmul.f32 v55, v39  }
0x1cb: {  	v57 =	vmul.f32 v55, v43;
	[tilespmem:s18+$0xFFFFFE00] =	vst v16  }
0x1cc: {  	v58 =	vmul.f32 v55, v35;
	[tilespmem:s18+$0xFFFFFE10] =	vst v56;
	v59 =	vpop (erf)  }
0x1cd: {  	[tilespmem:s18+$0xFFFFFE20] =	vst v57;
	v60 =	vmul.f32 v59, v23  }
0x1ce: {  	[tilespmem:s18+$0xFFFFFE30] =	vst v58;
	v61 =	vmul.f32 v59, v3  }
0x1cf: {  	v62 =	vmul.f32 v59, v17;
	[tilespmem:s18+$0x180] =	vst v60  }
0x1d0: {  	s16 =	sadd.s32 $0x1, s16;
	v63 =	vmul.f32 v59, v46;
	[tilespmem:s18+$0x190] =	vst v61  }
0x1d1: {  	s17 =	sshll.u32 s17, $0x4;
	p0 =	sne.s32 s16, $0x8;
	[tilespmem:s18+$0x1A0] =	vst v62  }
.Ltmp1:
0x1d2: {  	s17 =	sadd.s32 s7, s17;
	[tilespmem:s18+$0x1B0] =	vst v63;
	(pc) =	sbr.rel @p0 .LBB2_2-.Ltmp1, $4  }
0x1d3: {  	[hbm4b:s17+s4] =	stream.linear.scatter [tilespmem:s14], [sflag:$0x1], $0x8000, $0x38;
	[tilespmem:$0x8280] =	vst v63  }
0x1d4: {  	_ =	swait.ge [sflag:s11], $0x8000  }
0x1d5: {  	[sflag:s11] =	ssyncset.done $0x0  }
0x1d6: {  	[sflag:s11] =	ssyncadd.s32 $0xFFFF8000  }
0x1d7: {  	s15 =	sadd.s32 $0x1, s15  }
0x1d8: {  	p0 =	sne.s32 s15, s9  }
.Ltmp2:
0x1d9: {  	_ = 	snop;
	(pc) =	sbr.rel @p0 .LBB2_1-.Ltmp2, $1  }
0x1da: {  	_ =	sdelay $0x3  }
0x1db: {  	_ =	sfence.sel $0x180000  }
0x1dc: {  	[bflag:$0x0] =	sbarrier.arrive $0xFFFF  }
0x1dd: {  	p0 =	sne.s32 s5, $0x0;
	_ =	strace $0x90000047  }
0x1de: {  	s0 =	sadd.s32 @!p0 $0x100000, s3;
	[bflag:$0x2] =	sbarrier.arrive $0xFFFF  }
0x1df: {  	[sflag:s0] =	ssyncadd.tile.s32 @!p0 $0x1;
	_ =	shalt  }
.Lfunc_end2:
_tile_overlayer_lowered:
.L_overlay_start_2:
0x1e0: {  	(tag) =	ssettag $0x2  }
0x1e1: {  	s0 =	rddreg [dreg:$0x0];
	s2 =	stileid.u32  }
0x1e2: {  	s1 =	rddreg [dreg:$0x1];
	p0 =	sne.s32 s2, $0x0  }
0x1e3: {  	s3 =	rddreg [dreg:$0x2];
	[bflag:$0x3] =	sbarrier.arrive $0xFFFF;
	s2 =	simm.s32 @!p0 $0x1C01  }
0x1e4: {  	[timem:s3], [sflag:s2] =	dma.local @!p0 [hbm:s0], s1  }
0x1e5: {  	s0 =	simm.s32 @!p0 $0x1  }
0x1e6: {  	_ =	swait.ge @!p0 [sflag:s0], s1  }
0x1e7: {  	s1 =	ssub.s32 @!p0 $0x0, s1;
	[sflag:s0] =	ssyncset.done @!p0 $0x0  }
0x1e8: {  	[sflag:s0] =	ssyncadd.s32 @!p0 s1  }
0x1e9: {  	[bflag:$0x3] =	sbarrier.arrive $0xFFFF  }
0x1ea: {  	_ =	shalt  }

</sc_bundles>
